<compile_context>
chip_gen: v7x
topology: tpu7x:2x2x1
jax: 0.10.2.dev20260603
libtpu: 0.0.44.dev20260713+nightly
codegen_flags: <defaults>
</compile_context>

<pallas_src>
import functools

import jax
import jax.numpy as jnp
from jax import lax
from jax.experimental import pallas as pl
from jax.experimental.pallas import tpu as pltpu
from jax.experimental.pallas import tpu_sc as plsc

BATCH = 4096
CTX = 50
VOCAB = 1000
HIDDEN = 128

NC = 2
NS = 16
NW = NC * NS
BPW = BATCH // NW
NCHUNK = CTX
NBUF = 5


@functools.partial(
    pl.kernel,
    out_type=jax.ShapeDtypeStruct((CTX, BATCH, HIDDEN), jnp.float32),
    mesh=plsc.VectorSubcoreMesh(core_axis_name="c", subcore_axis_name="s"),
    scratch_types=[
        pltpu.VMEM((CTX, BPW), jnp.int32),
        pltpu.VMEM((NBUF, BPW, HIDDEN), jnp.float32),
        pltpu.VMEM_SHARED((VOCAB, HIDDEN), jnp.float32),
    ] + [pltpu.SemaphoreType.DMA] * (2 * NBUF + 1),
)
def _gather_kernel(labels_t_hbm, table_hbm, out_hbm, idx_v, rows_v,
                   table_s, g0, g1, g2, g3, g4, o0, o1, o2, o3, o4, tsem):
    gsem = (g0, g1, g2, g3, g4)
    osem = (o0, o1, o2, o3, o4)
    sid = lax.axis_index("s")
    wid = sid * NC + lax.axis_index("c")
    base = wid * BPW

    @pl.when(sid < 13)
    def _stage_lo():
        r0 = sid * 64
        pltpu.async_copy(table_hbm.at[pl.ds(r0, 64)],
                         table_s.at[pl.ds(r0, 64)], tsem)

    @pl.when(sid >= 13)
    def _stage_hi():
        r0 = 832 + (sid - 13) * 56
        pltpu.async_copy(table_hbm.at[pl.ds(r0, 56)],
                         table_s.at[pl.ds(r0, 56)], tsem)

    pltpu.sync_copy(labels_t_hbm.at[:, pl.ds(base, BPW)], idx_v)

    @pl.when(sid < 13)
    def _wait_lo():
        r0 = sid * 64
        pltpu.make_async_copy(table_hbm.at[pl.ds(r0, 64)],
                              table_s.at[pl.ds(r0, 64)], tsem).wait()

    @pl.when(sid >= 13)
    def _wait_hi():
        r0 = 832 + (sid - 13) * 56
        pltpu.make_async_copy(table_hbm.at[pl.ds(r0, 56)],
                              table_s.at[pl.ds(r0, 56)], tsem).wait()

    plsc.subcore_barrier()

    def start_gather(t, b):
        pltpu.async_copy(table_s.at[idx_v.at[t]], rows_v.at[b], gsem[b])

    def start_ocopy(t, b):
        pltpu.async_copy(rows_v.at[b], out_hbm.at[t, pl.ds(base, BPW)],
                         osem[b])

    def drain(b):
        pltpu.make_async_copy(
            rows_v.at[b], out_hbm.at[0, pl.ds(base, BPW)], osem[b]).wait()

    def wait_gather(b):
        pltpu.make_async_copy(table_s.at[idx_v.at[0]], rows_v.at[b],
                              gsem[b]).wait()

    start_gather(0, 0)
    for b in range(NBUF):
        t = b
        if t == NBUF - 1:
            drain((t + 1) % NBUF)
        start_gather(t + 1, (t + 1) % NBUF)
        wait_gather(t % NBUF)
        start_ocopy(t, t % NBUF)

    @pl.loop(NBUF, NCHUNK - NBUF, step=NBUF)
    def _block(j):
        for b in range(NBUF):
            t = j + b
            bb = (b + 1) % NBUF
            drain(bb)
            start_gather(t + 1, bb)
            wait_gather(b)
            start_ocopy(t, b)

    for b in range(NBUF):
        t = NCHUNK - NBUF + b
        if b < NBUF - 1:
            drain((b + 1) % NBUF)
            start_gather(t + 1, (b + 1) % NBUF)
        wait_gather(b)
        start_ocopy(t, b)
    for b in range(NBUF):
        drain(b)


def kernel(labels, class_embedding):
    labels_t = labels.astype(jnp.int32).T
    out_cbh = _gather_kernel(labels_t, class_embedding)
    return out_cbh.transpose(1, 0, 2)

# --- scband reference (transcript-rebuilt; emitter-appended) ---
"""Pipeline reference for scband-label-encoder-88553635709398 (READ-ONLY COPY).

The authoritative reference and input builder live on the scoring server;
editing this copy changes nothing except your own understanding.
"""

import jax, jax.numpy as jnp
import numpy as np

BATCH = 4096
NUM_CONTEXT = 50
VOCAB = 1000
HIDDEN = 128

def setup_inputs(seed: int = 0) -> dict:
    key = jax.random.key(seed)
    k1, k2 = jax.random.split(key)
    labels = jax.random.randint(k1, (BATCH, NUM_CONTEXT), 0, VOCAB, dtype=jnp.int64 if jax.config.jax_enable_x64 else jnp.int32)
    class_embedding = jax.random.normal(k2, (VOCAB, HIDDEN), dtype=jnp.float32)
    return {"labels": labels, "class_embedding": class_embedding}

def reference(labels, class_embedding):
    # LabelEncoder.forward with task_type='classification':
    # encoded = self.class_embedding(labels.long())
    encoded = jnp.take(class_embedding, labels, axis=0)
    return encoded

if __name__ == "__main__":
    import jax
    _d = setup_inputs()
    print(jax.jit(kernel)(*tuple(_d.values())))

</pallas_src>

<mosaic_0001>
#map = affine_map<(d0, d1) -> (0, 0)>
#map1 = affine_map<(d0, d1) -> (0, 0, 0)>
module attributes {stable_mosaic.version = 14 : i64} {
  func.func @_gather_kernel(%arg0: i32, %arg1: i32, %arg2: memref<50x4096xi32, #tpu.memory_space<hbm>>, %arg3: memref<1000x128xf32, #tpu.memory_space<hbm>>, %arg4: memref<50x4096x128xf32, #tpu.memory_space<hbm>>, %arg5: memref<50x128xi32, #tpu.memory_space<vmem>>, %arg6: memref<5x128x128xf32, #tpu.memory_space<vmem>>, %arg7: memref<1000x128xf32, #tpu.memory_space<vmem_shared>>, %arg8: memref<!tpu.dma_semaphore, #tpu.memory_space<semaphore_mem>>, %arg9: memref<!tpu.dma_semaphore, #tpu.memory_space<semaphore_mem>>, %arg10: memref<!tpu.dma_semaphore, #tpu.memory_space<semaphore_mem>>, %arg11: memref<!tpu.dma_semaphore, #tpu.memory_space<semaphore_mem>>, %arg12: memref<!tpu.dma_semaphore, #tpu.memory_space<semaphore_mem>>, %arg13: memref<!tpu.dma_semaphore, #tpu.memory_space<semaphore_mem>>, %arg14: memref<!tpu.dma_semaphore, #tpu.memory_space<semaphore_mem>>, %arg15: memref<!tpu.dma_semaphore, #tpu.memory_space<semaphore_mem>>, %arg16: memref<!tpu.dma_semaphore, #tpu.memory_space<semaphore_mem>>, %arg17: memref<!tpu.dma_semaphore, #tpu.memory_space<semaphore_mem>>, %arg18: memref<!tpu.dma_semaphore, #tpu.memory_space<semaphore_mem>>) attributes {dimension_semantics = [#tpu.dimension_semantics<core_parallel>, #tpu.dimension_semantics<subcore_parallel>], iteration_bounds = array<i64: 2, 16>, scalar_prefetch = 0 : i64, scratch_operands = 14 : i64, tpu.core_type = #tpu.core_type<sc_vector_subcore>, window_params = [{transform_indices = #map}, {transform_indices = #map}, {transform_indices = #map1}]} {
    %mul3A = arith.constant 2 : i32
    %mul3A_0 = arith.muli %arg1, %mul3A : i32
    %add3A = arith.addi %mul3A_0, %arg0 : i32
    %mul3A_1 = arith.constant 128 : i32
    %mul3A_2 = arith.muli %add3A, %mul3A_1 : i32
    %lt3A = arith.constant 13 : i32
    %lt3A_3 = arith.cmpi slt, %arg1, %lt3A : i32
    %convert_element_type3A = arith.extui %lt3A_3 : i1 to i32
    %cond3A = arith.constant 0 : i32
    %cond3A_4 = arith.cmpi ne, %convert_element_type3A, %cond3A : i32
    scf.if %cond3A_4 {
      %mul3A_581 = arith.constant 64 : i32
      %mul3A_582 = arith.muli %arg1, %mul3A_581 : i32
      %dma_start3A_583 = arith.constant 0 : i32
      %dma_start3A_584 = tpu.memref_slice %arg7[%mul3A_582, %dma_start3A_583] : memref<1000x128xf32, #tpu.memory_space<vmem_shared>> -> memref<64x128xf32, #tpu.memory_space<vmem_shared>>
      %dma_start3A_585 = arith.constant 0 : i32
      %dma_start3A_586 = tpu.memref_slice %arg3[%mul3A_582, %dma_start3A_585] : memref<1000x128xf32, #tpu.memory_space<hbm>> -> memref<64x128xf32, #tpu.memory_space<hbm>>
      tpu.enqueue_dma source(%dma_start3A_586 : memref<64x128xf32, #tpu.memory_space<hbm>>) target(%dma_start3A_584 : memref<64x128xf32, #tpu.memory_space<vmem_shared>>) target_semaphore(%arg18 : memref<!tpu.dma_semaphore, #tpu.memory_space<semaphore_mem>>)
    } else {
    }
    %ge3A = arith.constant 13 : i32
    %ge3A_5 = arith.cmpi sge, %arg1, %ge3A : i32
    %convert_element_type3A_6 = arith.extui %ge3A_5 : i1 to i32
    %cond3A_7 = arith.constant 0 : i32
    %cond3A_8 = arith.cmpi ne, %convert_element_type3A_6, %cond3A_7 : i32
    scf.if %cond3A_8 {
      %sub3A = arith.constant 13 : i32
      %sub3A_581 = arith.subi %arg1, %sub3A : i32
      %mul3A_582 = arith.constant 56 : i32
      %mul3A_583 = arith.muli %sub3A_581, %mul3A_582 : i32
      %add3A_584 = arith.constant 832 : i32
      %add3A_585 = arith.addi %add3A_584, %mul3A_583 : i32
      %dma_start3A_586 = arith.constant 0 : i32
      %dma_start3A_587 = tpu.memref_slice %arg7[%add3A_585, %dma_start3A_586] : memref<1000x128xf32, #tpu.memory_space<vmem_shared>> -> memref<56x128xf32, #tpu.memory_space<vmem_shared>>
      %dma_start3A_588 = arith.constant 0 : i32
      %dma_start3A_589 = tpu.memref_slice %arg3[%add3A_585, %dma_start3A_588] : memref<1000x128xf32, #tpu.memory_space<hbm>> -> memref<56x128xf32, #tpu.memory_space<hbm>>
      tpu.enqueue_dma source(%dma_start3A_589 : memref<56x128xf32, #tpu.memory_space<hbm>>) target(%dma_start3A_587 : memref<56x128xf32, #tpu.memory_space<vmem_shared>>) target_semaphore(%arg18 : memref<!tpu.dma_semaphore, #tpu.memory_space<semaphore_mem>>)
    } else {
    }
    "tpu.region"() ({
      %run_scoped3A = tpu.sem_alloc : memref<!tpu.dma_semaphore, #tpu.memory_space<semaphore_mem>>
      %dma_start3A_581 = arith.constant 0 : i32
      %dma_start3A_582 = tpu.memref_slice %arg2[%dma_start3A_581, %mul3A_2] : memref<50x4096xi32, #tpu.memory_space<hbm>> -> memref<50x128xi32, #tpu.memory_space<hbm>>
      %dma_start3A_583 = arith.constant 0 : i32
      %dma_start3A_584 = tpu.memref_slice %arg2[%dma_start3A_583, %mul3A_2] : memref<50x4096xi32, #tpu.memory_space<hbm>> -> memref<50x128xi32, #tpu.memory_space<hbm>>
      tpu.enqueue_dma source(%dma_start3A_584 : memref<50x128xi32, #tpu.memory_space<hbm>>) target(%arg5 : memref<50x128xi32, #tpu.memory_space<vmem>>) target_semaphore(%run_scoped3A : memref<!tpu.dma_semaphore, #tpu.memory_space<semaphore_mem>>)
      %dma_wait3A_585 = arith.constant 0 : i32
      %dma_wait3A_586 = tpu.memref_slice %arg2[%dma_wait3A_585, %mul3A_2] : memref<50x4096xi32, #tpu.memory_space<hbm>> -> memref<50x128xi32, #tpu.memory_space<hbm>>
      %dma_wait3A_587 = arith.constant 0 : i32
      %dma_wait3A_588 = tpu.memref_slice %arg2[%dma_wait3A_587, %mul3A_2] : memref<50x4096xi32, #tpu.memory_space<hbm>> -> memref<50x128xi32, #tpu.memory_space<hbm>>
      tpu.wait_dma2 semaphore(%run_scoped3A : memref<!tpu.dma_semaphore, #tpu.memory_space<semaphore_mem>>) src(%dma_wait3A_588 : memref<50x128xi32, #tpu.memory_space<hbm>>) dst(%arg5 : memref<50x128xi32, #tpu.memory_space<vmem>>)
      tpu.yield
    }) : () -> ()
    %lt3A_9 = arith.constant 13 : i32
    %lt3A_10 = arith.cmpi slt, %arg1, %lt3A_9 : i32
    %convert_element_type3A_11 = arith.extui %lt3A_10 : i1 to i32
    %cond3A_12 = arith.constant 0 : i32
    %cond3A_13 = arith.cmpi ne, %convert_element_type3A_11, %cond3A_12 : i32
    scf.if %cond3A_13 {
      %mul3A_581 = arith.constant 64 : i32
      %mul3A_582 = arith.muli %arg1, %mul3A_581 : i32
      %dma_wait3A_583 = arith.constant 0 : i32
      %dma_wait3A_584 = tpu.memref_slice %arg7[%mul3A_582, %dma_wait3A_583] : memref<1000x128xf32, #tpu.memory_space<vmem_shared>> -> memref<64x128xf32, #tpu.memory_space<vmem_shared>>
      %dma_wait3A_585 = arith.constant 0 : i32
      %dma_wait3A_586 = tpu.memref_slice %arg3[%mul3A_582, %dma_wait3A_585] : memref<1000x128xf32, #tpu.memory_space<hbm>> -> memref<64x128xf32, #tpu.memory_space<hbm>>
      tpu.wait_dma2 semaphore(%arg18 : memref<!tpu.dma_semaphore, #tpu.memory_space<semaphore_mem>>) src(%dma_wait3A_586 : memref<64x128xf32, #tpu.memory_space<hbm>>) dst(%dma_wait3A_584 : memref<64x128xf32, #tpu.memory_space<vmem_shared>>)
    } else {
    }
    %ge3A_14 = arith.constant 13 : i32
    %ge3A_15 = arith.cmpi sge, %arg1, %ge3A_14 : i32
    %convert_element_type3A_16 = arith.extui %ge3A_15 : i1 to i32
    %cond3A_17 = arith.constant 0 : i32
    %cond3A_18 = arith.cmpi ne, %convert_element_type3A_16, %cond3A_17 : i32
    scf.if %cond3A_18 {
      %sub3A = arith.constant 13 : i32
      %sub3A_581 = arith.subi %arg1, %sub3A : i32
      %mul3A_582 = arith.constant 56 : i32
      %mul3A_583 = arith.muli %sub3A_581, %mul3A_582 : i32
      %add3A_584 = arith.constant 832 : i32
      %add3A_585 = arith.addi %add3A_584, %mul3A_583 : i32
      %dma_wait3A_586 = arith.constant 0 : i32
      %dma_wait3A_587 = tpu.memref_slice %arg7[%add3A_585, %dma_wait3A_586] : memref<1000x128xf32, #tpu.memory_space<vmem_shared>> -> memref<56x128xf32, #tpu.memory_space<vmem_shared>>
      %dma_wait3A_588 = arith.constant 0 : i32
      %dma_wait3A_589 = tpu.memref_slice %arg3[%add3A_585, %dma_wait3A_588] : memref<1000x128xf32, #tpu.memory_space<hbm>> -> memref<56x128xf32, #tpu.memory_space<hbm>>
      tpu.wait_dma2 semaphore(%arg18 : memref<!tpu.dma_semaphore, #tpu.memory_space<semaphore_mem>>) src(%dma_wait3A_589 : memref<56x128xf32, #tpu.memory_space<hbm>>) dst(%dma_wait3A_587 : memref<56x128xf32, #tpu.memory_space<vmem_shared>>)
    } else {
    }
    %barrier3A = arith.constant 0 : index
    tpu.barrier barrier_id(%barrier3A)
    %dma_start3A = arith.constant 0 : i32
    %dma_start3A_19 = arith.constant 0 : i32
    %dma_start3A_20 = arith.constant 0 : i32
    %dma_start3A_21 = arith.constant 0 : i32
    %dma_start3A_22 = tpu.memref_slice %arg6[%dma_start3A_19, %dma_start3A_20, %dma_start3A_21] : memref<5x128x128xf32, #tpu.memory_space<vmem>> -> memref<1x128x128xf32, #tpu.memory_space<vmem>>
    %dma_start3A_23 = tpu.memref_squeeze %dma_start3A_22 : memref<1x128x128xf32, #tpu.memory_space<vmem>> -> memref<128x128xf32, #tpu.memory_space<vmem>>
    %dma_start3A_24 = arith.constant 0 : i32
    %dma_start3A_25 = tpu.memref_slice %arg5[%dma_start3A, %dma_start3A_24] : memref<50x128xi32, #tpu.memory_space<vmem>> -> memref<1x128xi32, #tpu.memory_space<vmem>>
    %dma_start3A_26 = tpu.memref_squeeze %dma_start3A_25 : memref<1x128xi32, #tpu.memory_space<vmem>> -> memref<128xi32, #tpu.memory_space<vmem>>
    %dma_start3A_27 = arith.constant 0 : i32
    %dma_start3A_28 = arith.constant 0 : i32
    %dma_start3A_29 = tpu.memref_slice %arg7[%dma_start3A_27, %dma_start3A_28] : memref<1000x128xf32, #tpu.memory_space<vmem_shared>> -> memref<1000x128xf32, #tpu.memory_space<vmem_shared>>
    tpu.enqueue_indirect_dma source(%dma_start3A_29 : memref<1000x128xf32, #tpu.memory_space<vmem_shared>>) target(%dma_start3A_23 : memref<128x128xf32, #tpu.memory_space<vmem>>) offsets(%dma_start3A_26 : memref<128xi32, #tpu.memory_space<vmem>>) semaphore(%arg8 : memref<!tpu.dma_semaphore, #tpu.memory_space<semaphore_mem>>)
    %dma_start3A_30 = arith.constant 1 : i32
    %dma_start3A_31 = arith.constant 1 : i32
    %dma_start3A_32 = arith.constant 0 : i32
    %dma_start3A_33 = arith.constant 0 : i32
    %dma_start3A_34 = tpu.memref_slice %arg6[%dma_start3A_31, %dma_start3A_32, %dma_start3A_33] : memref<5x128x128xf32, #tpu.memory_space<vmem>> -> memref<1x128x128xf32, #tpu.memory_space<vmem>>
    %dma_start3A_35 = tpu.memref_squeeze %dma_start3A_34 : memref<1x128x128xf32, #tpu.memory_space<vmem>> -> memref<128x128xf32, #tpu.memory_space<vmem>>
    %dma_start3A_36 = arith.constant 0 : i32
    %dma_start3A_37 = tpu.memref_slice %arg5[%dma_start3A_30, %dma_start3A_36] : memref<50x128xi32, #tpu.memory_space<vmem>> -> memref<1x128xi32, #tpu.memory_space<vmem>>
    %dma_start3A_38 = tpu.memref_squeeze %dma_start3A_37 : memref<1x128xi32, #tpu.memory_space<vmem>> -> memref<128xi32, #tpu.memory_space<vmem>>
    %dma_start3A_39 = arith.constant 0 : i32
    %dma_start3A_40 = arith.constant 0 : i32
    %dma_start3A_41 = tpu.memref_slice %arg7[%dma_start3A_39, %dma_start3A_40] : memref<1000x128xf32, #tpu.memory_space<vmem_shared>> -> memref<1000x128xf32, #tpu.memory_space<vmem_shared>>
    tpu.enqueue_indirect_dma source(%dma_start3A_41 : memref<1000x128xf32, #tpu.memory_space<vmem_shared>>) target(%dma_start3A_35 : memref<128x128xf32, #tpu.memory_space<vmem>>) offsets(%dma_start3A_38 : memref<128xi32, #tpu.memory_space<vmem>>) semaphore(%arg9 : memref<!tpu.dma_semaphore, #tpu.memory_space<semaphore_mem>>)
    %dma_wait3A = arith.constant 0 : i32
    %dma_wait3A_42 = arith.constant 0 : i32
    %dma_wait3A_43 = arith.constant 0 : i32
    %dma_wait3A_44 = arith.constant 0 : i32
    %dma_wait3A_45 = tpu.memref_slice %arg6[%dma_wait3A_42, %dma_wait3A_43, %dma_wait3A_44] : memref<5x128x128xf32, #tpu.memory_space<vmem>> -> memref<1x128x128xf32, #tpu.memory_space<vmem>>
    %dma_wait3A_46 = tpu.memref_squeeze %dma_wait3A_45 : memref<1x128x128xf32, #tpu.memory_space<vmem>> -> memref<128x128xf32, #tpu.memory_space<vmem>>
    %dma_wait3A_47 = arith.constant 0 : i32
    %dma_wait3A_48 = tpu.memref_slice %arg5[%dma_wait3A, %dma_wait3A_47] : memref<50x128xi32, #tpu.memory_space<vmem>> -> memref<1x128xi32, #tpu.memory_space<vmem>>
    %dma_wait3A_49 = tpu.memref_squeeze %dma_wait3A_48 : memref<1x128xi32, #tpu.memory_space<vmem>> -> memref<128xi32, #tpu.memory_space<vmem>>
    %dma_wait3A_50 = arith.constant 0 : i32
    %dma_wait3A_51 = arith.constant 0 : i32
    %dma_wait3A_52 = tpu.memref_slice %arg7[%dma_wait3A_50, %dma_wait3A_51] : memref<1000x128xf32, #tpu.memory_space<vmem_shared>> -> memref<1000x128xf32, #tpu.memory_space<vmem_shared>>
    tpu.wait_indirect_dma semaphore(%arg8 : memref<!tpu.dma_semaphore, #tpu.memory_space<semaphore_mem>>) src(%dma_wait3A_52 : memref<1000x128xf32, #tpu.memory_space<vmem_shared>>) dst(%dma_wait3A_46 : memref<128x128xf32, #tpu.memory_space<vmem>>)
    %dma_start3A_53 = arith.constant 0 : i32
    %dma_start3A_54 = arith.constant 0 : i32
    %dma_start3A_55 = arith.constant 0 : i32
    %dma_start3A_56 = arith.constant 0 : i32
    %dma_start3A_57 = tpu.memref_slice %arg6[%dma_start3A_53, %dma_start3A_55, %dma_start3A_56] : memref<5x128x128xf32, #tpu.memory_space<vmem>> -> memref<1x128x128xf32, #tpu.memory_space<vmem>>
    %dma_start3A_58 = tpu.memref_squeeze %dma_start3A_57 : memref<1x128x128xf32, #tpu.memory_space<vmem>> -> memref<128x128xf32, #tpu.memory_space<vmem>>
    %dma_start3A_59 = arith.constant 0 : i32
    %dma_start3A_60 = tpu.memref_slice %arg4[%dma_start3A_54, %mul3A_2, %dma_start3A_59] : memref<50x4096x128xf32, #tpu.memory_space<hbm>> -> memref<1x128x128xf32, #tpu.memory_space<hbm>>
    %dma_start3A_61 = tpu.memref_squeeze %dma_start3A_60 : memref<1x128x128xf32, #tpu.memory_space<hbm>> -> memref<128x128xf32, #tpu.memory_space<hbm>>
    %dma_start3A_62 = arith.constant 0 : i32
    %dma_start3A_63 = tpu.memref_slice %arg4[%dma_start3A_54, %mul3A_2, %dma_start3A_62] : memref<50x4096x128xf32, #tpu.memory_space<hbm>> -> memref<1x128x128xf32, #tpu.memory_space<hbm>>
    %dma_start3A_64 = tpu.memref_squeeze %dma_start3A_63 : memref<1x128x128xf32, #tpu.memory_space<hbm>> -> memref<128x128xf32, #tpu.memory_space<hbm>>
    %dma_start3A_65 = arith.constant 0 : i32
    %dma_start3A_66 = arith.constant 0 : i32
    %dma_start3A_67 = tpu.memref_slice %arg6[%dma_start3A_53, %dma_start3A_65, %dma_start3A_66] : memref<5x128x128xf32, #tpu.memory_space<vmem>> -> memref<1x128x128xf32, #tpu.memory_space<vmem>>
    %dma_start3A_68 = tpu.memref_squeeze %dma_start3A_67 : memref<1x128x128xf32, #tpu.memory_space<vmem>> -> memref<128x128xf32, #tpu.memory_space<vmem>>
    tpu.enqueue_dma source(%dma_start3A_68 : memref<128x128xf32, #tpu.memory_space<vmem>>) target(%dma_start3A_64 : memref<128x128xf32, #tpu.memory_space<hbm>>) target_semaphore(%arg13 : memref<!tpu.dma_semaphore, #tpu.memory_space<semaphore_mem>>)
    %dma_start3A_69 = arith.constant 2 : i32
    %dma_start3A_70 = arith.constant 2 : i32
    %dma_start3A_71 = arith.constant 0 : i32
    %dma_start3A_72 = arith.constant 0 : i32
    %dma_start3A_73 = tpu.memref_slice %arg6[%dma_start3A_70, %dma_start3A_71, %dma_start3A_72] : memref<5x128x128xf32, #tpu.memory_space<vmem>> -> memref<1x128x128xf32, #tpu.memory_space<vmem>>
    %dma_start3A_74 = tpu.memref_squeeze %dma_start3A_73 : memref<1x128x128xf32, #tpu.memory_space<vmem>> -> memref<128x128xf32, #tpu.memory_space<vmem>>
    %dma_start3A_75 = arith.constant 0 : i32
    %dma_start3A_76 = tpu.memref_slice %arg5[%dma_start3A_69, %dma_start3A_75] : memref<50x128xi32, #tpu.memory_space<vmem>> -> memref<1x128xi32, #tpu.memory_space<vmem>>
    %dma_start3A_77 = tpu.memref_squeeze %dma_start3A_76 : memref<1x128xi32, #tpu.memory_space<vmem>> -> memref<128xi32, #tpu.memory_space<vmem>>
    %dma_start3A_78 = arith.constant 0 : i32
    %dma_start3A_79 = arith.constant 0 : i32
    %dma_start3A_80 = tpu.memref_slice %arg7[%dma_start3A_78, %dma_start3A_79] : memref<1000x128xf32, #tpu.memory_space<vmem_shared>> -> memref<1000x128xf32, #tpu.memory_space<vmem_shared>>
    tpu.enqueue_indirect_dma source(%dma_start3A_80 : memref<1000x128xf32, #tpu.memory_space<vmem_shared>>) target(%dma_start3A_74 : memref<128x128xf32, #tpu.memory_space<vmem>>) offsets(%dma_start3A_77 : memref<128xi32, #tpu.memory_space<vmem>>) semaphore(%arg10 : memref<!tpu.dma_semaphore, #tpu.memory_space<semaphore_mem>>)
    %dma_wait3A_81 = arith.constant 0 : i32
    %dma_wait3A_82 = arith.constant 1 : i32
    %dma_wait3A_83 = arith.constant 0 : i32
    %dma_wait3A_84 = arith.constant 0 : i32
    %dma_wait3A_85 = tpu.memref_slice %arg6[%dma_wait3A_82, %dma_wait3A_83, %dma_wait3A_84] : memref<5x128x128xf32, #tpu.memory_space<vmem>> -> memref<1x128x128xf32, #tpu.memory_space<vmem>>
    %dma_wait3A_86 = tpu.memref_squeeze %dma_wait3A_85 : memref<1x128x128xf32, #tpu.memory_space<vmem>> -> memref<128x128xf32, #tpu.memory_space<vmem>>
    %dma_wait3A_87 = arith.constant 0 : i32
    %dma_wait3A_88 = tpu.memref_slice %arg5[%dma_wait3A_81, %dma_wait3A_87] : memref<50x128xi32, #tpu.memory_space<vmem>> -> memref<1x128xi32, #tpu.memory_space<vmem>>
    %dma_wait3A_89 = tpu.memref_squeeze %dma_wait3A_88 : memref<1x128xi32, #tpu.memory_space<vmem>> -> memref<128xi32, #tpu.memory_space<vmem>>
    %dma_wait3A_90 = arith.constant 0 : i32
    %dma_wait3A_91 = arith.constant 0 : i32
    %dma_wait3A_92 = tpu.memref_slice %arg7[%dma_wait3A_90, %dma_wait3A_91] : memref<1000x128xf32, #tpu.memory_space<vmem_shared>> -> memref<1000x128xf32, #tpu.memory_space<vmem_shared>>
    tpu.wait_indirect_dma semaphore(%arg9 : memref<!tpu.dma_semaphore, #tpu.memory_space<semaphore_mem>>) src(%dma_wait3A_92 : memref<1000x128xf32, #tpu.memory_space<vmem_shared>>) dst(%dma_wait3A_86 : memref<128x128xf32, #tpu.memory_space<vmem>>)
    %dma_start3A_93 = arith.constant 1 : i32
    %dma_start3A_94 = arith.constant 1 : i32
    %dma_start3A_95 = arith.constant 0 : i32
    %dma_start3A_96 = arith.constant 0 : i32
    %dma_start3A_97 = tpu.memref_slice %arg6[%dma_start3A_93, %dma_start3A_95, %dma_start3A_96] : memref<5x128x128xf32, #tpu.memory_space<vmem>> -> memref<1x128x128xf32, #tpu.memory_space<vmem>>
    %dma_start3A_98 = tpu.memref_squeeze %dma_start3A_97 : memref<1x128x128xf32, #tpu.memory_space<vmem>> -> memref<128x128xf32, #tpu.memory_space<vmem>>
    %dma_start3A_99 = arith.constant 0 : i32
    %dma_start3A_100 = tpu.memref_slice %arg4[%dma_start3A_94, %mul3A_2, %dma_start3A_99] : memref<50x4096x128xf32, #tpu.memory_space<hbm>> -> memref<1x128x128xf32, #tpu.memory_space<hbm>>
    %dma_start3A_101 = tpu.memref_squeeze %dma_start3A_100 : memref<1x128x128xf32, #tpu.memory_space<hbm>> -> memref<128x128xf32, #tpu.memory_space<hbm>>
    %dma_start3A_102 = arith.constant 0 : i32
    %dma_start3A_103 = tpu.memref_slice %arg4[%dma_start3A_94, %mul3A_2, %dma_start3A_102] : memref<50x4096x128xf32, #tpu.memory_space<hbm>> -> memref<1x128x128xf32, #tpu.memory_space<hbm>>
    %dma_start3A_104 = tpu.memref_squeeze %dma_start3A_103 : memref<1x128x128xf32, #tpu.memory_space<hbm>> -> memref<128x128xf32, #tpu.memory_space<hbm>>
    %dma_start3A_105 = arith.constant 0 : i32
    %dma_start3A_106 = arith.constant 0 : i32
    %dma_start3A_107 = tpu.memref_slice %arg6[%dma_start3A_93, %dma_start3A_105, %dma_start3A_106] : memref<5x128x128xf32, #tpu.memory_space<vmem>> -> memref<1x128x128xf32, #tpu.memory_space<vmem>>
    %dma_start3A_108 = tpu.memref_squeeze %dma_start3A_107 : memref<1x128x128xf32, #tpu.memory_space<vmem>> -> memref<128x128xf32, #tpu.memory_space<vmem>>
    tpu.enqueue_dma source(%dma_start3A_108 : memref<128x128xf32, #tpu.memory_space<vmem>>) target(%dma_start3A_104 : memref<128x128xf32, #tpu.memory_space<hbm>>) target_semaphore(%arg14 : memref<!tpu.dma_semaphore, #tpu.memory_space<semaphore_mem>>)
    %dma_start3A_109 = arith.constant 3 : i32
    %dma_start3A_110 = arith.constant 3 : i32
    %dma_start3A_111 = arith.constant 0 : i32
    %dma_start3A_112 = arith.constant 0 : i32
    %dma_start3A_113 = tpu.memref_slice %arg6[%dma_start3A_110, %dma_start3A_111, %dma_start3A_112] : memref<5x128x128xf32, #tpu.memory_space<vmem>> -> memref<1x128x128xf32, #tpu.memory_space<vmem>>
    %dma_start3A_114 = tpu.memref_squeeze %dma_start3A_113 : memref<1x128x128xf32, #tpu.memory_space<vmem>> -> memref<128x128xf32, #tpu.memory_space<vmem>>
    %dma_start3A_115 = arith.constant 0 : i32
    %dma_start3A_116 = tpu.memref_slice %arg5[%dma_start3A_109, %dma_start3A_115] : memref<50x128xi32, #tpu.memory_space<vmem>> -> memref<1x128xi32, #tpu.memory_space<vmem>>
    %dma_start3A_117 = tpu.memref_squeeze %dma_start3A_116 : memref<1x128xi32, #tpu.memory_space<vmem>> -> memref<128xi32, #tpu.memory_space<vmem>>
    %dma_start3A_118 = arith.constant 0 : i32
    %dma_start3A_119 = arith.constant 0 : i32
    %dma_start3A_120 = tpu.memref_slice %arg7[%dma_start3A_118, %dma_start3A_119] : memref<1000x128xf32, #tpu.memory_space<vmem_shared>> -> memref<1000x128xf32, #tpu.memory_space<vmem_shared>>
    tpu.enqueue_indirect_dma source(%dma_start3A_120 : memref<1000x128xf32, #tpu.memory_space<vmem_shared>>) target(%dma_start3A_114 : memref<128x128xf32, #tpu.memory_space<vmem>>) offsets(%dma_start3A_117 : memref<128xi32, #tpu.memory_space<vmem>>) semaphore(%arg11 : memref<!tpu.dma_semaphore, #tpu.memory_space<semaphore_mem>>)
    %dma_wait3A_121 = arith.constant 0 : i32
    %dma_wait3A_122 = arith.constant 2 : i32
    %dma_wait3A_123 = arith.constant 0 : i32
    %dma_wait3A_124 = arith.constant 0 : i32
    %dma_wait3A_125 = tpu.memref_slice %arg6[%dma_wait3A_122, %dma_wait3A_123, %dma_wait3A_124] : memref<5x128x128xf32, #tpu.memory_space<vmem>> -> memref<1x128x128xf32, #tpu.memory_space<vmem>>
    %dma_wait3A_126 = tpu.memref_squeeze %dma_wait3A_125 : memref<1x128x128xf32, #tpu.memory_space<vmem>> -> memref<128x128xf32, #tpu.memory_space<vmem>>
    %dma_wait3A_127 = arith.constant 0 : i32
    %dma_wait3A_128 = tpu.memref_slice %arg5[%dma_wait3A_121, %dma_wait3A_127] : memref<50x128xi32, #tpu.memory_space<vmem>> -> memref<1x128xi32, #tpu.memory_space<vmem>>
    %dma_wait3A_129 = tpu.memref_squeeze %dma_wait3A_128 : memref<1x128xi32, #tpu.memory_space<vmem>> -> memref<128xi32, #tpu.memory_space<vmem>>
    %dma_wait3A_130 = arith.constant 0 : i32
    %dma_wait3A_131 = arith.constant 0 : i32
    %dma_wait3A_132 = tpu.memref_slice %arg7[%dma_wait3A_130, %dma_wait3A_131] : memref<1000x128xf32, #tpu.memory_space<vmem_shared>> -> memref<1000x128xf32, #tpu.memory_space<vmem_shared>>
    tpu.wait_indirect_dma semaphore(%arg10 : memref<!tpu.dma_semaphore, #tpu.memory_space<semaphore_mem>>) src(%dma_wait3A_132 : memref<1000x128xf32, #tpu.memory_space<vmem_shared>>) dst(%dma_wait3A_126 : memref<128x128xf32, #tpu.memory_space<vmem>>)
    %dma_start3A_133 = arith.constant 2 : i32
    %dma_start3A_134 = arith.constant 2 : i32
    %dma_start3A_135 = arith.constant 0 : i32
    %dma_start3A_136 = arith.constant 0 : i32
    %dma_start3A_137 = tpu.memref_slice %arg6[%dma_start3A_133, %dma_start3A_135, %dma_start3A_136] : memref<5x128x128xf32, #tpu.memory_space<vmem>> -> memref<1x128x128xf32, #tpu.memory_space<vmem>>
    %dma_start3A_138 = tpu.memref_squeeze %dma_start3A_137 : memref<1x128x128xf32, #tpu.memory_space<vmem>> -> memref<128x128xf32, #tpu.memory_space<vmem>>
    %dma_start3A_139 = arith.constant 0 : i32
    %dma_start3A_140 = tpu.memref_slice %arg4[%dma_start3A_134, %mul3A_2, %dma_start3A_139] : memref<50x4096x128xf32, #tpu.memory_space<hbm>> -> memref<1x128x128xf32, #tpu.memory_space<hbm>>
    %dma_start3A_141 = tpu.memref_squeeze %dma_start3A_140 : memref<1x128x128xf32, #tpu.memory_space<hbm>> -> memref<128x128xf32, #tpu.memory_space<hbm>>
    %dma_start3A_142 = arith.constant 0 : i32
    %dma_start3A_143 = tpu.memref_slice %arg4[%dma_start3A_134, %mul3A_2, %dma_start3A_142] : memref<50x4096x128xf32, #tpu.memory_space<hbm>> -> memref<1x128x128xf32, #tpu.memory_space<hbm>>
    %dma_start3A_144 = tpu.memref_squeeze %dma_start3A_143 : memref<1x128x128xf32, #tpu.memory_space<hbm>> -> memref<128x128xf32, #tpu.memory_space<hbm>>
    %dma_start3A_145 = arith.constant 0 : i32
    %dma_start3A_146 = arith.constant 0 : i32
    %dma_start3A_147 = tpu.memref_slice %arg6[%dma_start3A_133, %dma_start3A_145, %dma_start3A_146] : memref<5x128x128xf32, #tpu.memory_space<vmem>> -> memref<1x128x128xf32, #tpu.memory_space<vmem>>
    %dma_start3A_148 = tpu.memref_squeeze %dma_start3A_147 : memref<1x128x128xf32, #tpu.memory_space<vmem>> -> memref<128x128xf32, #tpu.memory_space<vmem>>
    tpu.enqueue_dma source(%dma_start3A_148 : memref<128x128xf32, #tpu.memory_space<vmem>>) target(%dma_start3A_144 : memref<128x128xf32, #tpu.memory_space<hbm>>) target_semaphore(%arg15 : memref<!tpu.dma_semaphore, #tpu.memory_space<semaphore_mem>>)
    %dma_start3A_149 = arith.constant 4 : i32
    %dma_start3A_150 = arith.constant 4 : i32
    %dma_start3A_151 = arith.constant 0 : i32
    %dma_start3A_152 = arith.constant 0 : i32
    %dma_start3A_153 = tpu.memref_slice %arg6[%dma_start3A_150, %dma_start3A_151, %dma_start3A_152] : memref<5x128x128xf32, #tpu.memory_space<vmem>> -> memref<1x128x128xf32, #tpu.memory_space<vmem>>
    %dma_start3A_154 = tpu.memref_squeeze %dma_start3A_153 : memref<1x128x128xf32, #tpu.memory_space<vmem>> -> memref<128x128xf32, #tpu.memory_space<vmem>>
    %dma_start3A_155 = arith.constant 0 : i32
    %dma_start3A_156 = tpu.memref_slice %arg5[%dma_start3A_149, %dma_start3A_155] : memref<50x128xi32, #tpu.memory_space<vmem>> -> memref<1x128xi32, #tpu.memory_space<vmem>>
    %dma_start3A_157 = tpu.memref_squeeze %dma_start3A_156 : memref<1x128xi32, #tpu.memory_space<vmem>> -> memref<128xi32, #tpu.memory_space<vmem>>
    %dma_start3A_158 = arith.constant 0 : i32
    %dma_start3A_159 = arith.constant 0 : i32
    %dma_start3A_160 = tpu.memref_slice %arg7[%dma_start3A_158, %dma_start3A_159] : memref<1000x128xf32, #tpu.memory_space<vmem_shared>> -> memref<1000x128xf32, #tpu.memory_space<vmem_shared>>
    tpu.enqueue_indirect_dma source(%dma_start3A_160 : memref<1000x128xf32, #tpu.memory_space<vmem_shared>>) target(%dma_start3A_154 : memref<128x128xf32, #tpu.memory_space<vmem>>) offsets(%dma_start3A_157 : memref<128xi32, #tpu.memory_space<vmem>>) semaphore(%arg12 : memref<!tpu.dma_semaphore, #tpu.memory_space<semaphore_mem>>)
    %dma_wait3A_161 = arith.constant 0 : i32
    %dma_wait3A_162 = arith.constant 3 : i32
    %dma_wait3A_163 = arith.constant 0 : i32
    %dma_wait3A_164 = arith.constant 0 : i32
    %dma_wait3A_165 = tpu.memref_slice %arg6[%dma_wait3A_162, %dma_wait3A_163, %dma_wait3A_164] : memref<5x128x128xf32, #tpu.memory_space<vmem>> -> memref<1x128x128xf32, #tpu.memory_space<vmem>>
    %dma_wait3A_166 = tpu.memref_squeeze %dma_wait3A_165 : memref<1x128x128xf32, #tpu.memory_space<vmem>> -> memref<128x128xf32, #tpu.memory_space<vmem>>
    %dma_wait3A_167 = arith.constant 0 : i32
    %dma_wait3A_168 = tpu.memref_slice %arg5[%dma_wait3A_161, %dma_wait3A_167] : memref<50x128xi32, #tpu.memory_space<vmem>> -> memref<1x128xi32, #tpu.memory_space<vmem>>
    %dma_wait3A_169 = tpu.memref_squeeze %dma_wait3A_168 : memref<1x128xi32, #tpu.memory_space<vmem>> -> memref<128xi32, #tpu.memory_space<vmem>>
    %dma_wait3A_170 = arith.constant 0 : i32
    %dma_wait3A_171 = arith.constant 0 : i32
    %dma_wait3A_172 = tpu.memref_slice %arg7[%dma_wait3A_170, %dma_wait3A_171] : memref<1000x128xf32, #tpu.memory_space<vmem_shared>> -> memref<1000x128xf32, #tpu.memory_space<vmem_shared>>
    tpu.wait_indirect_dma semaphore(%arg11 : memref<!tpu.dma_semaphore, #tpu.memory_space<semaphore_mem>>) src(%dma_wait3A_172 : memref<1000x128xf32, #tpu.memory_space<vmem_shared>>) dst(%dma_wait3A_166 : memref<128x128xf32, #tpu.memory_space<vmem>>)
    %dma_start3A_173 = arith.constant 3 : i32
    %dma_start3A_174 = arith.constant 3 : i32
    %dma_start3A_175 = arith.constant 0 : i32
    %dma_start3A_176 = arith.constant 0 : i32
    %dma_start3A_177 = tpu.memref_slice %arg6[%dma_start3A_173, %dma_start3A_175, %dma_start3A_176] : memref<5x128x128xf32, #tpu.memory_space<vmem>> -> memref<1x128x128xf32, #tpu.memory_space<vmem>>
    %dma_start3A_178 = tpu.memref_squeeze %dma_start3A_177 : memref<1x128x128xf32, #tpu.memory_space<vmem>> -> memref<128x128xf32, #tpu.memory_space<vmem>>
    %dma_start3A_179 = arith.constant 0 : i32
    %dma_start3A_180 = tpu.memref_slice %arg4[%dma_start3A_174, %mul3A_2, %dma_start3A_179] : memref<50x4096x128xf32, #tpu.memory_space<hbm>> -> memref<1x128x128xf32, #tpu.memory_space<hbm>>
    %dma_start3A_181 = tpu.memref_squeeze %dma_start3A_180 : memref<1x128x128xf32, #tpu.memory_space<hbm>> -> memref<128x128xf32, #tpu.memory_space<hbm>>
    %dma_start3A_182 = arith.constant 0 : i32
    %dma_start3A_183 = tpu.memref_slice %arg4[%dma_start3A_174, %mul3A_2, %dma_start3A_182] : memref<50x4096x128xf32, #tpu.memory_space<hbm>> -> memref<1x128x128xf32, #tpu.memory_space<hbm>>
    %dma_start3A_184 = tpu.memref_squeeze %dma_start3A_183 : memref<1x128x128xf32, #tpu.memory_space<hbm>> -> memref<128x128xf32, #tpu.memory_space<hbm>>
    %dma_start3A_185 = arith.constant 0 : i32
    %dma_start3A_186 = arith.constant 0 : i32
    %dma_start3A_187 = tpu.memref_slice %arg6[%dma_start3A_173, %dma_start3A_185, %dma_start3A_186] : memref<5x128x128xf32, #tpu.memory_space<vmem>> -> memref<1x128x128xf32, #tpu.memory_space<vmem>>
    %dma_start3A_188 = tpu.memref_squeeze %dma_start3A_187 : memref<1x128x128xf32, #tpu.memory_space<vmem>> -> memref<128x128xf32, #tpu.memory_space<vmem>>
    tpu.enqueue_dma source(%dma_start3A_188 : memref<128x128xf32, #tpu.memory_space<vmem>>) target(%dma_start3A_184 : memref<128x128xf32, #tpu.memory_space<hbm>>) target_semaphore(%arg16 : memref<!tpu.dma_semaphore, #tpu.memory_space<semaphore_mem>>)
    %dma_wait3A_189 = arith.constant 0 : i32
    %dma_wait3A_190 = arith.constant 0 : i32
    %dma_wait3A_191 = arith.constant 0 : i32
    %dma_wait3A_192 = arith.constant 0 : i32
    %dma_wait3A_193 = tpu.memref_slice %arg6[%dma_wait3A_189, %dma_wait3A_191, %dma_wait3A_192] : memref<5x128x128xf32, #tpu.memory_space<vmem>> -> memref<1x128x128xf32, #tpu.memory_space<vmem>>
    %dma_wait3A_194 = tpu.memref_squeeze %dma_wait3A_193 : memref<1x128x128xf32, #tpu.memory_space<vmem>> -> memref<128x128xf32, #tpu.memory_space<vmem>>
    %dma_wait3A_195 = arith.constant 0 : i32
    %dma_wait3A_196 = tpu.memref_slice %arg4[%dma_wait3A_190, %mul3A_2, %dma_wait3A_195] : memref<50x4096x128xf32, #tpu.memory_space<hbm>> -> memref<1x128x128xf32, #tpu.memory_space<hbm>>
    %dma_wait3A_197 = tpu.memref_squeeze %dma_wait3A_196 : memref<1x128x128xf32, #tpu.memory_space<hbm>> -> memref<128x128xf32, #tpu.memory_space<hbm>>
    %dma_wait3A_198 = arith.constant 0 : i32
    %dma_wait3A_199 = tpu.memref_slice %arg4[%dma_wait3A_190, %mul3A_2, %dma_wait3A_198] : memref<50x4096x128xf32, #tpu.memory_space<hbm>> -> memref<1x128x128xf32, #tpu.memory_space<hbm>>
    %dma_wait3A_200 = tpu.memref_squeeze %dma_wait3A_199 : memref<1x128x128xf32, #tpu.memory_space<hbm>> -> memref<128x128xf32, #tpu.memory_space<hbm>>
    %dma_wait3A_201 = arith.constant 0 : i32
    %dma_wait3A_202 = arith.constant 0 : i32
    %dma_wait3A_203 = tpu.memref_slice %arg6[%dma_wait3A_189, %dma_wait3A_201, %dma_wait3A_202] : memref<5x128x128xf32, #tpu.memory_space<vmem>> -> memref<1x128x128xf32, #tpu.memory_space<vmem>>
    %dma_wait3A_204 = tpu.memref_squeeze %dma_wait3A_203 : memref<1x128x128xf32, #tpu.memory_space<vmem>> -> memref<128x128xf32, #tpu.memory_space<vmem>>
    tpu.wait_dma2 semaphore(%arg13 : memref<!tpu.dma_semaphore, #tpu.memory_space<semaphore_mem>>) src(%dma_wait3A_204 : memref<128x128xf32, #tpu.memory_space<vmem>>) dst(%dma_wait3A_200 : memref<128x128xf32, #tpu.memory_space<hbm>>)
    %dma_start3A_205 = arith.constant 5 : i32
    %dma_start3A_206 = arith.constant 0 : i32
    %dma_start3A_207 = arith.constant 0 : i32
    %dma_start3A_208 = arith.constant 0 : i32
    %dma_start3A_209 = tpu.memref_slice %arg6[%dma_start3A_206, %dma_start3A_207, %dma_start3A_208] : memref<5x128x128xf32, #tpu.memory_space<vmem>> -> memref<1x128x128xf32, #tpu.memory_space<vmem>>
    %dma_start3A_210 = tpu.memref_squeeze %dma_start3A_209 : memref<1x128x128xf32, #tpu.memory_space<vmem>> -> memref<128x128xf32, #tpu.memory_space<vmem>>
    %dma_start3A_211 = arith.constant 0 : i32
    %dma_start3A_212 = tpu.memref_slice %arg5[%dma_start3A_205, %dma_start3A_211] : memref<50x128xi32, #tpu.memory_space<vmem>> -> memref<1x128xi32, #tpu.memory_space<vmem>>
    %dma_start3A_213 = tpu.memref_squeeze %dma_start3A_212 : memref<1x128xi32, #tpu.memory_space<vmem>> -> memref<128xi32, #tpu.memory_space<vmem>>
    %dma_start3A_214 = arith.constant 0 : i32
    %dma_start3A_215 = arith.constant 0 : i32
    %dma_start3A_216 = tpu.memref_slice %arg7[%dma_start3A_214, %dma_start3A_215] : memref<1000x128xf32, #tpu.memory_space<vmem_shared>> -> memref<1000x128xf32, #tpu.memory_space<vmem_shared>>
    tpu.enqueue_indirect_dma source(%dma_start3A_216 : memref<1000x128xf32, #tpu.memory_space<vmem_shared>>) target(%dma_start3A_210 : memref<128x128xf32, #tpu.memory_space<vmem>>) offsets(%dma_start3A_213 : memref<128xi32, #tpu.memory_space<vmem>>) semaphore(%arg8 : memref<!tpu.dma_semaphore, #tpu.memory_space<semaphore_mem>>)
    %dma_wait3A_217 = arith.constant 0 : i32
    %dma_wait3A_218 = arith.constant 4 : i32
    %dma_wait3A_219 = arith.constant 0 : i32
    %dma_wait3A_220 = arith.constant 0 : i32
    %dma_wait3A_221 = tpu.memref_slice %arg6[%dma_wait3A_218, %dma_wait3A_219, %dma_wait3A_220] : memref<5x128x128xf32, #tpu.memory_space<vmem>> -> memref<1x128x128xf32, #tpu.memory_space<vmem>>
    %dma_wait3A_222 = tpu.memref_squeeze %dma_wait3A_221 : memref<1x128x128xf32, #tpu.memory_space<vmem>> -> memref<128x128xf32, #tpu.memory_space<vmem>>
    %dma_wait3A_223 = arith.constant 0 : i32
    %dma_wait3A_224 = tpu.memref_slice %arg5[%dma_wait3A_217, %dma_wait3A_223] : memref<50x128xi32, #tpu.memory_space<vmem>> -> memref<1x128xi32, #tpu.memory_space<vmem>>
    %dma_wait3A_225 = tpu.memref_squeeze %dma_wait3A_224 : memref<1x128xi32, #tpu.memory_space<vmem>> -> memref<128xi32, #tpu.memory_space<vmem>>
    %dma_wait3A_226 = arith.constant 0 : i32
    %dma_wait3A_227 = arith.constant 0 : i32
    %dma_wait3A_228 = tpu.memref_slice %arg7[%dma_wait3A_226, %dma_wait3A_227] : memref<1000x128xf32, #tpu.memory_space<vmem_shared>> -> memref<1000x128xf32, #tpu.memory_space<vmem_shared>>
    tpu.wait_indirect_dma semaphore(%arg12 : memref<!tpu.dma_semaphore, #tpu.memory_space<semaphore_mem>>) src(%dma_wait3A_228 : memref<1000x128xf32, #tpu.memory_space<vmem_shared>>) dst(%dma_wait3A_222 : memref<128x128xf32, #tpu.memory_space<vmem>>)
    %dma_start3A_229 = arith.constant 4 : i32
    %dma_start3A_230 = arith.constant 4 : i32
    %dma_start3A_231 = arith.constant 0 : i32
    %dma_start3A_232 = arith.constant 0 : i32
    %dma_start3A_233 = tpu.memref_slice %arg6[%dma_start3A_229, %dma_start3A_231, %dma_start3A_232] : memref<5x128x128xf32, #tpu.memory_space<vmem>> -> memref<1x128x128xf32, #tpu.memory_space<vmem>>
    %dma_start3A_234 = tpu.memref_squeeze %dma_start3A_233 : memref<1x128x128xf32, #tpu.memory_space<vmem>> -> memref<128x128xf32, #tpu.memory_space<vmem>>
    %dma_start3A_235 = arith.constant 0 : i32
    %dma_start3A_236 = tpu.memref_slice %arg4[%dma_start3A_230, %mul3A_2, %dma_start3A_235] : memref<50x4096x128xf32, #tpu.memory_space<hbm>> -> memref<1x128x128xf32, #tpu.memory_space<hbm>>
    %dma_start3A_237 = tpu.memref_squeeze %dma_start3A_236 : memref<1x128x128xf32, #tpu.memory_space<hbm>> -> memref<128x128xf32, #tpu.memory_space<hbm>>
    %dma_start3A_238 = arith.constant 0 : i32
    %dma_start3A_239 = tpu.memref_slice %arg4[%dma_start3A_230, %mul3A_2, %dma_start3A_238] : memref<50x4096x128xf32, #tpu.memory_space<hbm>> -> memref<1x128x128xf32, #tpu.memory_space<hbm>>
    %dma_start3A_240 = tpu.memref_squeeze %dma_start3A_239 : memref<1x128x128xf32, #tpu.memory_space<hbm>> -> memref<128x128xf32, #tpu.memory_space<hbm>>
    %dma_start3A_241 = arith.constant 0 : i32
    %dma_start3A_242 = arith.constant 0 : i32
    %dma_start3A_243 = tpu.memref_slice %arg6[%dma_start3A_229, %dma_start3A_241, %dma_start3A_242] : memref<5x128x128xf32, #tpu.memory_space<vmem>> -> memref<1x128x128xf32, #tpu.memory_space<vmem>>
    %dma_start3A_244 = tpu.memref_squeeze %dma_start3A_243 : memref<1x128x128xf32, #tpu.memory_space<vmem>> -> memref<128x128xf32, #tpu.memory_space<vmem>>
    tpu.enqueue_dma source(%dma_start3A_244 : memref<128x128xf32, #tpu.memory_space<vmem>>) target(%dma_start3A_240 : memref<128x128xf32, #tpu.memory_space<hbm>>) target_semaphore(%arg17 : memref<!tpu.dma_semaphore, #tpu.memory_space<semaphore_mem>>)
    %scan3A = arith.constant 0 : i32
    %scan3A_245 = arith.constant 8 : i32
    %scan3A_246 = arith.addi %scan3A, %scan3A_245 : i32
    %scan3A_247 = arith.constant 1 : i32
    scf.for %scan3A_581 = %scan3A to %scan3A_246 step %scan3A_247  : i32 {
      %mul3A_582 = arith.constant 5 : i32
      %mul3A_583 = arith.muli %scan3A_581, %mul3A_582 : i32
      %add3A_584 = arith.constant 5 : i32
      %add3A_585 = arith.addi %add3A_584, %mul3A_583 : i32
      %add3A_586 = arith.constant 0 : i32
      %add3A_587 = arith.addi %add3A_585, %add3A_586 : i32
      %dma_wait3A_588 = arith.constant 1 : i32
      %dma_wait3A_589 = arith.constant 0 : i32
      %dma_wait3A_590 = arith.constant 0 : i32
      %dma_wait3A_591 = arith.constant 0 : i32
      %dma_wait3A_592 = tpu.memref_slice %arg6[%dma_wait3A_588, %dma_wait3A_590, %dma_wait3A_591] : memref<5x128x128xf32, #tpu.memory_space<vmem>> -> memref<1x128x128xf32, #tpu.memory_space<vmem>>
      %dma_wait3A_593 = tpu.memref_squeeze %dma_wait3A_592 : memref<1x128x128xf32, #tpu.memory_space<vmem>> -> memref<128x128xf32, #tpu.memory_space<vmem>>
      %dma_wait3A_594 = arith.constant 0 : i32
      %dma_wait3A_595 = tpu.memref_slice %arg4[%dma_wait3A_589, %mul3A_2, %dma_wait3A_594] : memref<50x4096x128xf32, #tpu.memory_space<hbm>> -> memref<1x128x128xf32, #tpu.memory_space<hbm>>
      %dma_wait3A_596 = tpu.memref_squeeze %dma_wait3A_595 : memref<1x128x128xf32, #tpu.memory_space<hbm>> -> memref<128x128xf32, #tpu.memory_space<hbm>>
      %dma_wait3A_597 = arith.constant 0 : i32
      %dma_wait3A_598 = tpu.memref_slice %arg4[%dma_wait3A_589, %mul3A_2, %dma_wait3A_597] : memref<50x4096x128xf32, #tpu.memory_space<hbm>> -> memref<1x128x128xf32, #tpu.memory_space<hbm>>
      %dma_wait3A_599 = tpu.memref_squeeze %dma_wait3A_598 : memref<1x128x128xf32, #tpu.memory_space<hbm>> -> memref<128x128xf32, #tpu.memory_space<hbm>>
      %dma_wait3A_600 = arith.constant 0 : i32
      %dma_wait3A_601 = arith.constant 0 : i32
      %dma_wait3A_602 = tpu.memref_slice %arg6[%dma_wait3A_588, %dma_wait3A_600, %dma_wait3A_601] : memref<5x128x128xf32, #tpu.memory_space<vmem>> -> memref<1x128x128xf32, #tpu.memory_space<vmem>>
      %dma_wait3A_603 = tpu.memref_squeeze %dma_wait3A_602 : memref<1x128x128xf32, #tpu.memory_space<vmem>> -> memref<128x128xf32, #tpu.memory_space<vmem>>
      tpu.wait_dma2 semaphore(%arg14 : memref<!tpu.dma_semaphore, #tpu.memory_space<semaphore_mem>>) src(%dma_wait3A_603 : memref<128x128xf32, #tpu.memory_space<vmem>>) dst(%dma_wait3A_599 : memref<128x128xf32, #tpu.memory_space<hbm>>)
      %add3A_604 = arith.constant 1 : i32
      %add3A_605 = arith.addi %add3A_587, %add3A_604 : i32
      %dma_start3A_606 = arith.constant 1 : i32
      %dma_start3A_607 = arith.constant 0 : i32
      %dma_start3A_608 = arith.constant 0 : i32
      %dma_start3A_609 = tpu.memref_slice %arg6[%dma_start3A_606, %dma_start3A_607, %dma_start3A_608] : memref<5x128x128xf32, #tpu.memory_space<vmem>> -> memref<1x128x128xf32, #tpu.memory_space<vmem>>
      %dma_start3A_610 = tpu.memref_squeeze %dma_start3A_609 : memref<1x128x128xf32, #tpu.memory_space<vmem>> -> memref<128x128xf32, #tpu.memory_space<vmem>>
      %dma_start3A_611 = arith.constant 0 : i32
      %dma_start3A_612 = tpu.memref_slice %arg5[%add3A_605, %dma_start3A_611] : memref<50x128xi32, #tpu.memory_space<vmem>> -> memref<1x128xi32, #tpu.memory_space<vmem>>
      %dma_start3A_613 = tpu.memref_squeeze %dma_start3A_612 : memref<1x128xi32, #tpu.memory_space<vmem>> -> memref<128xi32, #tpu.memory_space<vmem>>
      %dma_start3A_614 = arith.constant 0 : i32
      %dma_start3A_615 = arith.constant 0 : i32
      %dma_start3A_616 = tpu.memref_slice %arg7[%dma_start3A_614, %dma_start3A_615] : memref<1000x128xf32, #tpu.memory_space<vmem_shared>> -> memref<1000x128xf32, #tpu.memory_space<vmem_shared>>
      tpu.enqueue_indirect_dma source(%dma_start3A_616 : memref<1000x128xf32, #tpu.memory_space<vmem_shared>>) target(%dma_start3A_610 : memref<128x128xf32, #tpu.memory_space<vmem>>) offsets(%dma_start3A_613 : memref<128xi32, #tpu.memory_space<vmem>>) semaphore(%arg9 : memref<!tpu.dma_semaphore, #tpu.memory_space<semaphore_mem>>)
      %dma_wait3A_617 = arith.constant 0 : i32
      %dma_wait3A_618 = arith.constant 0 : i32
      %dma_wait3A_619 = arith.constant 0 : i32
      %dma_wait3A_620 = arith.constant 0 : i32
      %dma_wait3A_621 = tpu.memref_slice %arg6[%dma_wait3A_618, %dma_wait3A_619, %dma_wait3A_620] : memref<5x128x128xf32, #tpu.memory_space<vmem>> -> memref<1x128x128xf32, #tpu.memory_space<vmem>>
      %dma_wait3A_622 = tpu.memref_squeeze %dma_wait3A_621 : memref<1x128x128xf32, #tpu.memory_space<vmem>> -> memref<128x128xf32, #tpu.memory_space<vmem>>
      %dma_wait3A_623 = arith.constant 0 : i32
      %dma_wait3A_624 = tpu.memref_slice %arg5[%dma_wait3A_617, %dma_wait3A_623] : memref<50x128xi32, #tpu.memory_space<vmem>> -> memref<1x128xi32, #tpu.memory_space<vmem>>
      %dma_wait3A_625 = tpu.memref_squeeze %dma_wait3A_624 : memref<1x128xi32, #tpu.memory_space<vmem>> -> memref<128xi32, #tpu.memory_space<vmem>>
      %dma_wait3A_626 = arith.constant 0 : i32
      %dma_wait3A_627 = arith.constant 0 : i32
      %dma_wait3A_628 = tpu.memref_slice %arg7[%dma_wait3A_626, %dma_wait3A_627] : memref<1000x128xf32, #tpu.memory_space<vmem_shared>> -> memref<1000x128xf32, #tpu.memory_space<vmem_shared>>
      tpu.wait_indirect_dma semaphore(%arg8 : memref<!tpu.dma_semaphore, #tpu.memory_space<semaphore_mem>>) src(%dma_wait3A_628 : memref<1000x128xf32, #tpu.memory_space<vmem_shared>>) dst(%dma_wait3A_622 : memref<128x128xf32, #tpu.memory_space<vmem>>)
      %dma_start3A_629 = arith.constant 0 : i32
      %dma_start3A_630 = arith.constant 0 : i32
      %dma_start3A_631 = arith.constant 0 : i32
      %dma_start3A_632 = tpu.memref_slice %arg6[%dma_start3A_629, %dma_start3A_630, %dma_start3A_631] : memref<5x128x128xf32, #tpu.memory_space<vmem>> -> memref<1x128x128xf32, #tpu.memory_space<vmem>>
      %dma_start3A_633 = tpu.memref_squeeze %dma_start3A_632 : memref<1x128x128xf32, #tpu.memory_space<vmem>> -> memref<128x128xf32, #tpu.memory_space<vmem>>
      %dma_start3A_634 = arith.constant 0 : i32
      %dma_start3A_635 = tpu.memref_slice %arg4[%add3A_587, %mul3A_2, %dma_start3A_634] : memref<50x4096x128xf32, #tpu.memory_space<hbm>> -> memref<1x128x128xf32, #tpu.memory_space<hbm>>
      %dma_start3A_636 = tpu.memref_squeeze %dma_start3A_635 : memref<1x128x128xf32, #tpu.memory_space<hbm>> -> memref<128x128xf32, #tpu.memory_space<hbm>>
      %dma_start3A_637 = arith.constant 0 : i32
      %dma_start3A_638 = tpu.memref_slice %arg4[%add3A_587, %mul3A_2, %dma_start3A_637] : memref<50x4096x128xf32, #tpu.memory_space<hbm>> -> memref<1x128x128xf32, #tpu.memory_space<hbm>>
      %dma_start3A_639 = tpu.memref_squeeze %dma_start3A_638 : memref<1x128x128xf32, #tpu.memory_space<hbm>> -> memref<128x128xf32, #tpu.memory_space<hbm>>
      %dma_start3A_640 = arith.constant 0 : i32
      %dma_start3A_641 = arith.constant 0 : i32
      %dma_start3A_642 = tpu.memref_slice %arg6[%dma_start3A_629, %dma_start3A_640, %dma_start3A_641] : memref<5x128x128xf32, #tpu.memory_space<vmem>> -> memref<1x128x128xf32, #tpu.memory_space<vmem>>
      %dma_start3A_643 = tpu.memref_squeeze %dma_start3A_642 : memref<1x128x128xf32, #tpu.memory_space<vmem>> -> memref<128x128xf32, #tpu.memory_space<vmem>>
      tpu.enqueue_dma source(%dma_start3A_643 : memref<128x128xf32, #tpu.memory_space<vmem>>) target(%dma_start3A_639 : memref<128x128xf32, #tpu.memory_space<hbm>>) target_semaphore(%arg13 : memref<!tpu.dma_semaphore, #tpu.memory_space<semaphore_mem>>)
      %add3A_644 = arith.constant 1 : i32
      %add3A_645 = arith.addi %add3A_585, %add3A_644 : i32
      %dma_wait3A_646 = arith.constant 2 : i32
      %dma_wait3A_647 = arith.constant 0 : i32
      %dma_wait3A_648 = arith.constant 0 : i32
      %dma_wait3A_649 = arith.constant 0 : i32
      %dma_wait3A_650 = tpu.memref_slice %arg6[%dma_wait3A_646, %dma_wait3A_648, %dma_wait3A_649] : memref<5x128x128xf32, #tpu.memory_space<vmem>> -> memref<1x128x128xf32, #tpu.memory_space<vmem>>
      %dma_wait3A_651 = tpu.memref_squeeze %dma_wait3A_650 : memref<1x128x128xf32, #tpu.memory_space<vmem>> -> memref<128x128xf32, #tpu.memory_space<vmem>>
      %dma_wait3A_652 = arith.constant 0 : i32
      %dma_wait3A_653 = tpu.memref_slice %arg4[%dma_wait3A_647, %mul3A_2, %dma_wait3A_652] : memref<50x4096x128xf32, #tpu.memory_space<hbm>> -> memref<1x128x128xf32, #tpu.memory_space<hbm>>
      %dma_wait3A_654 = tpu.memref_squeeze %dma_wait3A_653 : memref<1x128x128xf32, #tpu.memory_space<hbm>> -> memref<128x128xf32, #tpu.memory_space<hbm>>
      %dma_wait3A_655 = arith.constant 0 : i32
      %dma_wait3A_656 = tpu.memref_slice %arg4[%dma_wait3A_647, %mul3A_2, %dma_wait3A_655] : memref<50x4096x128xf32, #tpu.memory_space<hbm>> -> memref<1x128x128xf32, #tpu.memory_space<hbm>>
      %dma_wait3A_657 = tpu.memref_squeeze %dma_wait3A_656 : memref<1x128x128xf32, #tpu.memory_space<hbm>> -> memref<128x128xf32, #tpu.memory_space<hbm>>
      %dma_wait3A_658 = arith.constant 0 : i32
      %dma_wait3A_659 = arith.constant 0 : i32
      %dma_wait3A_660 = tpu.memref_slice %arg6[%dma_wait3A_646, %dma_wait3A_658, %dma_wait3A_659] : memref<5x128x128xf32, #tpu.memory_space<vmem>> -> memref<1x128x128xf32, #tpu.memory_space<vmem>>
      %dma_wait3A_661 = tpu.memref_squeeze %dma_wait3A_660 : memref<1x128x128xf32, #tpu.memory_space<vmem>> -> memref<128x128xf32, #tpu.memory_space<vmem>>
      tpu.wait_dma2 semaphore(%arg15 : memref<!tpu.dma_semaphore, #tpu.memory_space<semaphore_mem>>) src(%dma_wait3A_661 : memref<128x128xf32, #tpu.memory_space<vmem>>) dst(%dma_wait3A_657 : memref<128x128xf32, #tpu.memory_space<hbm>>)
      %add3A_662 = arith.constant 1 : i32
      %add3A_663 = arith.addi %add3A_645, %add3A_662 : i32
      %dma_start3A_664 = arith.constant 2 : i32
      %dma_start3A_665 = arith.constant 0 : i32
      %dma_start3A_666 = arith.constant 0 : i32
      %dma_start3A_667 = tpu.memref_slice %arg6[%dma_start3A_664, %dma_start3A_665, %dma_start3A_666] : memref<5x128x128xf32, #tpu.memory_space<vmem>> -> memref<1x128x128xf32, #tpu.memory_space<vmem>>
      %dma_start3A_668 = tpu.memref_squeeze %dma_start3A_667 : memref<1x128x128xf32, #tpu.memory_space<vmem>> -> memref<128x128xf32, #tpu.memory_space<vmem>>
      %dma_start3A_669 = arith.constant 0 : i32
      %dma_start3A_670 = tpu.memref_slice %arg5[%add3A_663, %dma_start3A_669] : memref<50x128xi32, #tpu.memory_space<vmem>> -> memref<1x128xi32, #tpu.memory_space<vmem>>
      %dma_start3A_671 = tpu.memref_squeeze %dma_start3A_670 : memref<1x128xi32, #tpu.memory_space<vmem>> -> memref<128xi32, #tpu.memory_space<vmem>>
      %dma_start3A_672 = arith.constant 0 : i32
      %dma_start3A_673 = arith.constant 0 : i32
      %dma_start3A_674 = tpu.memref_slice %arg7[%dma_start3A_672, %dma_start3A_673] : memref<1000x128xf32, #tpu.memory_space<vmem_shared>> -> memref<1000x128xf32, #tpu.memory_space<vmem_shared>>
      tpu.enqueue_indirect_dma source(%dma_start3A_674 : memref<1000x128xf32, #tpu.memory_space<vmem_shared>>) target(%dma_start3A_668 : memref<128x128xf32, #tpu.memory_space<vmem>>) offsets(%dma_start3A_671 : memref<128xi32, #tpu.memory_space<vmem>>) semaphore(%arg10 : memref<!tpu.dma_semaphore, #tpu.memory_space<semaphore_mem>>)
      %dma_wait3A_675 = arith.constant 0 : i32
      %dma_wait3A_676 = arith.constant 1 : i32
      %dma_wait3A_677 = arith.constant 0 : i32
      %dma_wait3A_678 = arith.constant 0 : i32
      %dma_wait3A_679 = tpu.memref_slice %arg6[%dma_wait3A_676, %dma_wait3A_677, %dma_wait3A_678] : memref<5x128x128xf32, #tpu.memory_space<vmem>> -> memref<1x128x128xf32, #tpu.memory_space<vmem>>
      %dma_wait3A_680 = tpu.memref_squeeze %dma_wait3A_679 : memref<1x128x128xf32, #tpu.memory_space<vmem>> -> memref<128x128xf32, #tpu.memory_space<vmem>>
      %dma_wait3A_681 = arith.constant 0 : i32
      %dma_wait3A_682 = tpu.memref_slice %arg5[%dma_wait3A_675, %dma_wait3A_681] : memref<50x128xi32, #tpu.memory_space<vmem>> -> memref<1x128xi32, #tpu.memory_space<vmem>>
      %dma_wait3A_683 = tpu.memref_squeeze %dma_wait3A_682 : memref<1x128xi32, #tpu.memory_space<vmem>> -> memref<128xi32, #tpu.memory_space<vmem>>
      %dma_wait3A_684 = arith.constant 0 : i32
      %dma_wait3A_685 = arith.constant 0 : i32
      %dma_wait3A_686 = tpu.memref_slice %arg7[%dma_wait3A_684, %dma_wait3A_685] : memref<1000x128xf32, #tpu.memory_space<vmem_shared>> -> memref<1000x128xf32, #tpu.memory_space<vmem_shared>>
      tpu.wait_indirect_dma semaphore(%arg9 : memref<!tpu.dma_semaphore, #tpu.memory_space<semaphore_mem>>) src(%dma_wait3A_686 : memref<1000x128xf32, #tpu.memory_space<vmem_shared>>) dst(%dma_wait3A_680 : memref<128x128xf32, #tpu.memory_space<vmem>>)
      %dma_start3A_687 = arith.constant 1 : i32
      %dma_start3A_688 = arith.constant 0 : i32
      %dma_start3A_689 = arith.constant 0 : i32
      %dma_start3A_690 = tpu.memref_slice %arg6[%dma_start3A_687, %dma_start3A_688, %dma_start3A_689] : memref<5x128x128xf32, #tpu.memory_space<vmem>> -> memref<1x128x128xf32, #tpu.memory_space<vmem>>
      %dma_start3A_691 = tpu.memref_squeeze %dma_start3A_690 : memref<1x128x128xf32, #tpu.memory_space<vmem>> -> memref<128x128xf32, #tpu.memory_space<vmem>>
      %dma_start3A_692 = arith.constant 0 : i32
      %dma_start3A_693 = tpu.memref_slice %arg4[%add3A_645, %mul3A_2, %dma_start3A_692] : memref<50x4096x128xf32, #tpu.memory_space<hbm>> -> memref<1x128x128xf32, #tpu.memory_space<hbm>>
      %dma_start3A_694 = tpu.memref_squeeze %dma_start3A_693 : memref<1x128x128xf32, #tpu.memory_space<hbm>> -> memref<128x128xf32, #tpu.memory_space<hbm>>
      %dma_start3A_695 = arith.constant 0 : i32
      %dma_start3A_696 = tpu.memref_slice %arg4[%add3A_645, %mul3A_2, %dma_start3A_695] : memref<50x4096x128xf32, #tpu.memory_space<hbm>> -> memref<1x128x128xf32, #tpu.memory_space<hbm>>
      %dma_start3A_697 = tpu.memref_squeeze %dma_start3A_696 : memref<1x128x128xf32, #tpu.memory_space<hbm>> -> memref<128x128xf32, #tpu.memory_space<hbm>>
      %dma_start3A_698 = arith.constant 0 : i32
      %dma_start3A_699 = arith.constant 0 : i32
      %dma_start3A_700 = tpu.memref_slice %arg6[%dma_start3A_687, %dma_start3A_698, %dma_start3A_699] : memref<5x128x128xf32, #tpu.memory_space<vmem>> -> memref<1x128x128xf32, #tpu.memory_space<vmem>>
      %dma_start3A_701 = tpu.memref_squeeze %dma_start3A_700 : memref<1x128x128xf32, #tpu.memory_space<vmem>> -> memref<128x128xf32, #tpu.memory_space<vmem>>
      tpu.enqueue_dma source(%dma_start3A_701 : memref<128x128xf32, #tpu.memory_space<vmem>>) target(%dma_start3A_697 : memref<128x128xf32, #tpu.memory_space<hbm>>) target_semaphore(%arg14 : memref<!tpu.dma_semaphore, #tpu.memory_space<semaphore_mem>>)
      %add3A_702 = arith.constant 2 : i32
      %add3A_703 = arith.addi %add3A_585, %add3A_702 : i32
      %dma_wait3A_704 = arith.constant 3 : i32
      %dma_wait3A_705 = arith.constant 0 : i32
      %dma_wait3A_706 = arith.constant 0 : i32
      %dma_wait3A_707 = arith.constant 0 : i32
      %dma_wait3A_708 = tpu.memref_slice %arg6[%dma_wait3A_704, %dma_wait3A_706, %dma_wait3A_707] : memref<5x128x128xf32, #tpu.memory_space<vmem>> -> memref<1x128x128xf32, #tpu.memory_space<vmem>>
      %dma_wait3A_709 = tpu.memref_squeeze %dma_wait3A_708 : memref<1x128x128xf32, #tpu.memory_space<vmem>> -> memref<128x128xf32, #tpu.memory_space<vmem>>
      %dma_wait3A_710 = arith.constant 0 : i32
      %dma_wait3A_711 = tpu.memref_slice %arg4[%dma_wait3A_705, %mul3A_2, %dma_wait3A_710] : memref<50x4096x128xf32, #tpu.memory_space<hbm>> -> memref<1x128x128xf32, #tpu.memory_space<hbm>>
      %dma_wait3A_712 = tpu.memref_squeeze %dma_wait3A_711 : memref<1x128x128xf32, #tpu.memory_space<hbm>> -> memref<128x128xf32, #tpu.memory_space<hbm>>
      %dma_wait3A_713 = arith.constant 0 : i32
      %dma_wait3A_714 = tpu.memref_slice %arg4[%dma_wait3A_705, %mul3A_2, %dma_wait3A_713] : memref<50x4096x128xf32, #tpu.memory_space<hbm>> -> memref<1x128x128xf32, #tpu.memory_space<hbm>>
      %dma_wait3A_715 = tpu.memref_squeeze %dma_wait3A_714 : memref<1x128x128xf32, #tpu.memory_space<hbm>> -> memref<128x128xf32, #tpu.memory_space<hbm>>
      %dma_wait3A_716 = arith.constant 0 : i32
      %dma_wait3A_717 = arith.constant 0 : i32
      %dma_wait3A_718 = tpu.memref_slice %arg6[%dma_wait3A_704, %dma_wait3A_716, %dma_wait3A_717] : memref<5x128x128xf32, #tpu.memory_space<vmem>> -> memref<1x128x128xf32, #tpu.memory_space<vmem>>
      %dma_wait3A_719 = tpu.memref_squeeze %dma_wait3A_718 : memref<1x128x128xf32, #tpu.memory_space<vmem>> -> memref<128x128xf32, #tpu.memory_space<vmem>>
      tpu.wait_dma2 semaphore(%arg16 : memref<!tpu.dma_semaphore, #tpu.memory_space<semaphore_mem>>) src(%dma_wait3A_719 : memref<128x128xf32, #tpu.memory_space<vmem>>) dst(%dma_wait3A_715 : memref<128x128xf32, #tpu.memory_space<hbm>>)
      %add3A_720 = arith.constant 1 : i32
      %add3A_721 = arith.addi %add3A_703, %add3A_720 : i32
      %dma_start3A_722 = arith.constant 3 : i32
      %dma_start3A_723 = arith.constant 0 : i32
      %dma_start3A_724 = arith.constant 0 : i32
      %dma_start3A_725 = tpu.memref_slice %arg6[%dma_start3A_722, %dma_start3A_723, %dma_start3A_724] : memref<5x128x128xf32, #tpu.memory_space<vmem>> -> memref<1x128x128xf32, #tpu.memory_space<vmem>>
      %dma_start3A_726 = tpu.memref_squeeze %dma_start3A_725 : memref<1x128x128xf32, #tpu.memory_space<vmem>> -> memref<128x128xf32, #tpu.memory_space<vmem>>
      %dma_start3A_727 = arith.constant 0 : i32
      %dma_start3A_728 = tpu.memref_slice %arg5[%add3A_721, %dma_start3A_727] : memref<50x128xi32, #tpu.memory_space<vmem>> -> memref<1x128xi32, #tpu.memory_space<vmem>>
      %dma_start3A_729 = tpu.memref_squeeze %dma_start3A_728 : memref<1x128xi32, #tpu.memory_space<vmem>> -> memref<128xi32, #tpu.memory_space<vmem>>
      %dma_start3A_730 = arith.constant 0 : i32
      %dma_start3A_731 = arith.constant 0 : i32
      %dma_start3A_732 = tpu.memref_slice %arg7[%dma_start3A_730, %dma_start3A_731] : memref<1000x128xf32, #tpu.memory_space<vmem_shared>> -> memref<1000x128xf32, #tpu.memory_space<vmem_shared>>
      tpu.enqueue_indirect_dma source(%dma_start3A_732 : memref<1000x128xf32, #tpu.memory_space<vmem_shared>>) target(%dma_start3A_726 : memref<128x128xf32, #tpu.memory_space<vmem>>) offsets(%dma_start3A_729 : memref<128xi32, #tpu.memory_space<vmem>>) semaphore(%arg11 : memref<!tpu.dma_semaphore, #tpu.memory_space<semaphore_mem>>)
      %dma_wait3A_733 = arith.constant 0 : i32
      %dma_wait3A_734 = arith.constant 2 : i32
      %dma_wait3A_735 = arith.constant 0 : i32
      %dma_wait3A_736 = arith.constant 0 : i32
      %dma_wait3A_737 = tpu.memref_slice %arg6[%dma_wait3A_734, %dma_wait3A_735, %dma_wait3A_736] : memref<5x128x128xf32, #tpu.memory_space<vmem>> -> memref<1x128x128xf32, #tpu.memory_space<vmem>>
      %dma_wait3A_738 = tpu.memref_squeeze %dma_wait3A_737 : memref<1x128x128xf32, #tpu.memory_space<vmem>> -> memref<128x128xf32, #tpu.memory_space<vmem>>
      %dma_wait3A_739 = arith.constant 0 : i32
      %dma_wait3A_740 = tpu.memref_slice %arg5[%dma_wait3A_733, %dma_wait3A_739] : memref<50x128xi32, #tpu.memory_space<vmem>> -> memref<1x128xi32, #tpu.memory_space<vmem>>
      %dma_wait3A_741 = tpu.memref_squeeze %dma_wait3A_740 : memref<1x128xi32, #tpu.memory_space<vmem>> -> memref<128xi32, #tpu.memory_space<vmem>>
      %dma_wait3A_742 = arith.constant 0 : i32
      %dma_wait3A_743 = arith.constant 0 : i32
      %dma_wait3A_744 = tpu.memref_slice %arg7[%dma_wait3A_742, %dma_wait3A_743] : memref<1000x128xf32, #tpu.memory_space<vmem_shared>> -> memref<1000x128xf32, #tpu.memory_space<vmem_shared>>
      tpu.wait_indirect_dma semaphore(%arg10 : memref<!tpu.dma_semaphore, #tpu.memory_space<semaphore_mem>>) src(%dma_wait3A_744 : memref<1000x128xf32, #tpu.memory_space<vmem_shared>>) dst(%dma_wait3A_738 : memref<128x128xf32, #tpu.memory_space<vmem>>)
      %dma_start3A_745 = arith.constant 2 : i32
      %dma_start3A_746 = arith.constant 0 : i32
      %dma_start3A_747 = arith.constant 0 : i32
      %dma_start3A_748 = tpu.memref_slice %arg6[%dma_start3A_745, %dma_start3A_746, %dma_start3A_747] : memref<5x128x128xf32, #tpu.memory_space<vmem>> -> memref<1x128x128xf32, #tpu.memory_space<vmem>>
      %dma_start3A_749 = tpu.memref_squeeze %dma_start3A_748 : memref<1x128x128xf32, #tpu.memory_space<vmem>> -> memref<128x128xf32, #tpu.memory_space<vmem>>
      %dma_start3A_750 = arith.constant 0 : i32
      %dma_start3A_751 = tpu.memref_slice %arg4[%add3A_703, %mul3A_2, %dma_start3A_750] : memref<50x4096x128xf32, #tpu.memory_space<hbm>> -> memref<1x128x128xf32, #tpu.memory_space<hbm>>
      %dma_start3A_752 = tpu.memref_squeeze %dma_start3A_751 : memref<1x128x128xf32, #tpu.memory_space<hbm>> -> memref<128x128xf32, #tpu.memory_space<hbm>>
      %dma_start3A_753 = arith.constant 0 : i32
      %dma_start3A_754 = tpu.memref_slice %arg4[%add3A_703, %mul3A_2, %dma_start3A_753] : memref<50x4096x128xf32, #tpu.memory_space<hbm>> -> memref<1x128x128xf32, #tpu.memory_space<hbm>>
      %dma_start3A_755 = tpu.memref_squeeze %dma_start3A_754 : memref<1x128x128xf32, #tpu.memory_space<hbm>> -> memref<128x128xf32, #tpu.memory_space<hbm>>
      %dma_start3A_756 = arith.constant 0 : i32
      %dma_start3A_757 = arith.constant 0 : i32
      %dma_start3A_758 = tpu.memref_slice %arg6[%dma_start3A_745, %dma_start3A_756, %dma_start3A_757] : memref<5x128x128xf32, #tpu.memory_space<vmem>> -> memref<1x128x128xf32, #tpu.memory_space<vmem>>
      %dma_start3A_759 = tpu.memref_squeeze %dma_start3A_758 : memref<1x128x128xf32, #tpu.memory_space<vmem>> -> memref<128x128xf32, #tpu.memory_space<vmem>>
      tpu.enqueue_dma source(%dma_start3A_759 : memref<128x128xf32, #tpu.memory_space<vmem>>) target(%dma_start3A_755 : memref<128x128xf32, #tpu.memory_space<hbm>>) target_semaphore(%arg15 : memref<!tpu.dma_semaphore, #tpu.memory_space<semaphore_mem>>)
      %add3A_760 = arith.constant 3 : i32
      %add3A_761 = arith.addi %add3A_585, %add3A_760 : i32
      %dma_wait3A_762 = arith.constant 4 : i32
      %dma_wait3A_763 = arith.constant 0 : i32
      %dma_wait3A_764 = arith.constant 0 : i32
      %dma_wait3A_765 = arith.constant 0 : i32
      %dma_wait3A_766 = tpu.memref_slice %arg6[%dma_wait3A_762, %dma_wait3A_764, %dma_wait3A_765] : memref<5x128x128xf32, #tpu.memory_space<vmem>> -> memref<1x128x128xf32, #tpu.memory_space<vmem>>
      %dma_wait3A_767 = tpu.memref_squeeze %dma_wait3A_766 : memref<1x128x128xf32, #tpu.memory_space<vmem>> -> memref<128x128xf32, #tpu.memory_space<vmem>>
      %dma_wait3A_768 = arith.constant 0 : i32
      %dma_wait3A_769 = tpu.memref_slice %arg4[%dma_wait3A_763, %mul3A_2, %dma_wait3A_768] : memref<50x4096x128xf32, #tpu.memory_space<hbm>> -> memref<1x128x128xf32, #tpu.memory_space<hbm>>
      %dma_wait3A_770 = tpu.memref_squeeze %dma_wait3A_769 : memref<1x128x128xf32, #tpu.memory_space<hbm>> -> memref<128x128xf32, #tpu.memory_space<hbm>>
      %dma_wait3A_771 = arith.constant 0 : i32
      %dma_wait3A_772 = tpu.memref_slice %arg4[%dma_wait3A_763, %mul3A_2, %dma_wait3A_771] : memref<50x4096x128xf32, #tpu.memory_space<hbm>> -> memref<1x128x128xf32, #tpu.memory_space<hbm>>
      %dma_wait3A_773 = tpu.memref_squeeze %dma_wait3A_772 : memref<1x128x128xf32, #tpu.memory_space<hbm>> -> memref<128x128xf32, #tpu.memory_space<hbm>>
      %dma_wait3A_774 = arith.constant 0 : i32
      %dma_wait3A_775 = arith.constant 0 : i32
      %dma_wait3A_776 = tpu.memref_slice %arg6[%dma_wait3A_762, %dma_wait3A_774, %dma_wait3A_775] : memref<5x128x128xf32, #tpu.memory_space<vmem>> -> memref<1x128x128xf32, #tpu.memory_space<vmem>>
      %dma_wait3A_777 = tpu.memref_squeeze %dma_wait3A_776 : memref<1x128x128xf32, #tpu.memory_space<vmem>> -> memref<128x128xf32, #tpu.memory_space<vmem>>
      tpu.wait_dma2 semaphore(%arg17 : memref<!tpu.dma_semaphore, #tpu.memory_space<semaphore_mem>>) src(%dma_wait3A_777 : memref<128x128xf32, #tpu.memory_space<vmem>>) dst(%dma_wait3A_773 : memref<128x128xf32, #tpu.memory_space<hbm>>)
      %add3A_778 = arith.constant 1 : i32
      %add3A_779 = arith.addi %add3A_761, %add3A_778 : i32
      %dma_start3A_780 = arith.constant 4 : i32
      %dma_start3A_781 = arith.constant 0 : i32
      %dma_start3A_782 = arith.constant 0 : i32
      %dma_start3A_783 = tpu.memref_slice %arg6[%dma_start3A_780, %dma_start3A_781, %dma_start3A_782] : memref<5x128x128xf32, #tpu.memory_space<vmem>> -> memref<1x128x128xf32, #tpu.memory_space<vmem>>
      %dma_start3A_784 = tpu.memref_squeeze %dma_start3A_783 : memref<1x128x128xf32, #tpu.memory_space<vmem>> -> memref<128x128xf32, #tpu.memory_space<vmem>>
      %dma_start3A_785 = arith.constant 0 : i32
      %dma_start3A_786 = tpu.memref_slice %arg5[%add3A_779, %dma_start3A_785] : memref<50x128xi32, #tpu.memory_space<vmem>> -> memref<1x128xi32, #tpu.memory_space<vmem>>
      %dma_start3A_787 = tpu.memref_squeeze %dma_start3A_786 : memref<1x128xi32, #tpu.memory_space<vmem>> -> memref<128xi32, #tpu.memory_space<vmem>>
      %dma_start3A_788 = arith.constant 0 : i32
      %dma_start3A_789 = arith.constant 0 : i32
      %dma_start3A_790 = tpu.memref_slice %arg7[%dma_start3A_788, %dma_start3A_789] : memref<1000x128xf32, #tpu.memory_space<vmem_shared>> -> memref<1000x128xf32, #tpu.memory_space<vmem_shared>>
      tpu.enqueue_indirect_dma source(%dma_start3A_790 : memref<1000x128xf32, #tpu.memory_space<vmem_shared>>) target(%dma_start3A_784 : memref<128x128xf32, #tpu.memory_space<vmem>>) offsets(%dma_start3A_787 : memref<128xi32, #tpu.memory_space<vmem>>) semaphore(%arg12 : memref<!tpu.dma_semaphore, #tpu.memory_space<semaphore_mem>>)
      %dma_wait3A_791 = arith.constant 0 : i32
      %dma_wait3A_792 = arith.constant 3 : i32
      %dma_wait3A_793 = arith.constant 0 : i32
      %dma_wait3A_794 = arith.constant 0 : i32
      %dma_wait3A_795 = tpu.memref_slice %arg6[%dma_wait3A_792, %dma_wait3A_793, %dma_wait3A_794] : memref<5x128x128xf32, #tpu.memory_space<vmem>> -> memref<1x128x128xf32, #tpu.memory_space<vmem>>
      %dma_wait3A_796 = tpu.memref_squeeze %dma_wait3A_795 : memref<1x128x128xf32, #tpu.memory_space<vmem>> -> memref<128x128xf32, #tpu.memory_space<vmem>>
      %dma_wait3A_797 = arith.constant 0 : i32
      %dma_wait3A_798 = tpu.memref_slice %arg5[%dma_wait3A_791, %dma_wait3A_797] : memref<50x128xi32, #tpu.memory_space<vmem>> -> memref<1x128xi32, #tpu.memory_space<vmem>>
      %dma_wait3A_799 = tpu.memref_squeeze %dma_wait3A_798 : memref<1x128xi32, #tpu.memory_space<vmem>> -> memref<128xi32, #tpu.memory_space<vmem>>
      %dma_wait3A_800 = arith.constant 0 : i32
      %dma_wait3A_801 = arith.constant 0 : i32
      %dma_wait3A_802 = tpu.memref_slice %arg7[%dma_wait3A_800, %dma_wait3A_801] : memref<1000x128xf32, #tpu.memory_space<vmem_shared>> -> memref<1000x128xf32, #tpu.memory_space<vmem_shared>>
      tpu.wait_indirect_dma semaphore(%arg11 : memref<!tpu.dma_semaphore, #tpu.memory_space<semaphore_mem>>) src(%dma_wait3A_802 : memref<1000x128xf32, #tpu.memory_space<vmem_shared>>) dst(%dma_wait3A_796 : memref<128x128xf32, #tpu.memory_space<vmem>>)
      %dma_start3A_803 = arith.constant 3 : i32
      %dma_start3A_804 = arith.constant 0 : i32
      %dma_start3A_805 = arith.constant 0 : i32
      %dma_start3A_806 = tpu.memref_slice %arg6[%dma_start3A_803, %dma_start3A_804, %dma_start3A_805] : memref<5x128x128xf32, #tpu.memory_space<vmem>> -> memref<1x128x128xf32, #tpu.memory_space<vmem>>
      %dma_start3A_807 = tpu.memref_squeeze %dma_start3A_806 : memref<1x128x128xf32, #tpu.memory_space<vmem>> -> memref<128x128xf32, #tpu.memory_space<vmem>>
      %dma_start3A_808 = arith.constant 0 : i32
      %dma_start3A_809 = tpu.memref_slice %arg4[%add3A_761, %mul3A_2, %dma_start3A_808] : memref<50x4096x128xf32, #tpu.memory_space<hbm>> -> memref<1x128x128xf32, #tpu.memory_space<hbm>>
      %dma_start3A_810 = tpu.memref_squeeze %dma_start3A_809 : memref<1x128x128xf32, #tpu.memory_space<hbm>> -> memref<128x128xf32, #tpu.memory_space<hbm>>
      %dma_start3A_811 = arith.constant 0 : i32
      %dma_start3A_812 = tpu.memref_slice %arg4[%add3A_761, %mul3A_2, %dma_start3A_811] : memref<50x4096x128xf32, #tpu.memory_space<hbm>> -> memref<1x128x128xf32, #tpu.memory_space<hbm>>
      %dma_start3A_813 = tpu.memref_squeeze %dma_start3A_812 : memref<1x128x128xf32, #tpu.memory_space<hbm>> -> memref<128x128xf32, #tpu.memory_space<hbm>>
      %dma_start3A_814 = arith.constant 0 : i32
      %dma_start3A_815 = arith.constant 0 : i32
      %dma_start3A_816 = tpu.memref_slice %arg6[%dma_start3A_803, %dma_start3A_814, %dma_start3A_815] : memref<5x128x128xf32, #tpu.memory_space<vmem>> -> memref<1x128x128xf32, #tpu.memory_space<vmem>>
      %dma_start3A_817 = tpu.memref_squeeze %dma_start3A_816 : memref<1x128x128xf32, #tpu.memory_space<vmem>> -> memref<128x128xf32, #tpu.memory_space<vmem>>
      tpu.enqueue_dma source(%dma_start3A_817 : memref<128x128xf32, #tpu.memory_space<vmem>>) target(%dma_start3A_813 : memref<128x128xf32, #tpu.memory_space<hbm>>) target_semaphore(%arg16 : memref<!tpu.dma_semaphore, #tpu.memory_space<semaphore_mem>>)
      %add3A_818 = arith.constant 4 : i32
      %add3A_819 = arith.addi %add3A_585, %add3A_818 : i32
      %dma_wait3A_820 = arith.constant 0 : i32
      %dma_wait3A_821 = arith.constant 0 : i32
      %dma_wait3A_822 = arith.constant 0 : i32
      %dma_wait3A_823 = arith.constant 0 : i32
      %dma_wait3A_824 = tpu.memref_slice %arg6[%dma_wait3A_820, %dma_wait3A_822, %dma_wait3A_823] : memref<5x128x128xf32, #tpu.memory_space<vmem>> -> memref<1x128x128xf32, #tpu.memory_space<vmem>>
      %dma_wait3A_825 = tpu.memref_squeeze %dma_wait3A_824 : memref<1x128x128xf32, #tpu.memory_space<vmem>> -> memref<128x128xf32, #tpu.memory_space<vmem>>
      %dma_wait3A_826 = arith.constant 0 : i32
      %dma_wait3A_827 = tpu.memref_slice %arg4[%dma_wait3A_821, %mul3A_2, %dma_wait3A_826] : memref<50x4096x128xf32, #tpu.memory_space<hbm>> -> memref<1x128x128xf32, #tpu.memory_space<hbm>>
      %dma_wait3A_828 = tpu.memref_squeeze %dma_wait3A_827 : memref<1x128x128xf32, #tpu.memory_space<hbm>> -> memref<128x128xf32, #tpu.memory_space<hbm>>
      %dma_wait3A_829 = arith.constant 0 : i32
      %dma_wait3A_830 = tpu.memref_slice %arg4[%dma_wait3A_821, %mul3A_2, %dma_wait3A_829] : memref<50x4096x128xf32, #tpu.memory_space<hbm>> -> memref<1x128x128xf32, #tpu.memory_space<hbm>>
      %dma_wait3A_831 = tpu.memref_squeeze %dma_wait3A_830 : memref<1x128x128xf32, #tpu.memory_space<hbm>> -> memref<128x128xf32, #tpu.memory_space<hbm>>
      %dma_wait3A_832 = arith.constant 0 : i32
      %dma_wait3A_833 = arith.constant 0 : i32
      %dma_wait3A_834 = tpu.memref_slice %arg6[%dma_wait3A_820, %dma_wait3A_832, %dma_wait3A_833] : memref<5x128x128xf32, #tpu.memory_space<vmem>> -> memref<1x128x128xf32, #tpu.memory_space<vmem>>
      %dma_wait3A_835 = tpu.memref_squeeze %dma_wait3A_834 : memref<1x128x128xf32, #tpu.memory_space<vmem>> -> memref<128x128xf32, #tpu.memory_space<vmem>>
      tpu.wait_dma2 semaphore(%arg13 : memref<!tpu.dma_semaphore, #tpu.memory_space<semaphore_mem>>) src(%dma_wait3A_835 : memref<128x128xf32, #tpu.memory_space<vmem>>) dst(%dma_wait3A_831 : memref<128x128xf32, #tpu.memory_space<hbm>>)
      %add3A_836 = arith.constant 1 : i32
      %add3A_837 = arith.addi %add3A_819, %add3A_836 : i32
      %dma_start3A_838 = arith.constant 0 : i32
      %dma_start3A_839 = arith.constant 0 : i32
      %dma_start3A_840 = arith.constant 0 : i32
      %dma_start3A_841 = tpu.memref_slice %arg6[%dma_start3A_838, %dma_start3A_839, %dma_start3A_840] : memref<5x128x128xf32, #tpu.memory_space<vmem>> -> memref<1x128x128xf32, #tpu.memory_space<vmem>>
      %dma_start3A_842 = tpu.memref_squeeze %dma_start3A_841 : memref<1x128x128xf32, #tpu.memory_space<vmem>> -> memref<128x128xf32, #tpu.memory_space<vmem>>
      %dma_start3A_843 = arith.constant 0 : i32
      %dma_start3A_844 = tpu.memref_slice %arg5[%add3A_837, %dma_start3A_843] : memref<50x128xi32, #tpu.memory_space<vmem>> -> memref<1x128xi32, #tpu.memory_space<vmem>>
      %dma_start3A_845 = tpu.memref_squeeze %dma_start3A_844 : memref<1x128xi32, #tpu.memory_space<vmem>> -> memref<128xi32, #tpu.memory_space<vmem>>
      %dma_start3A_846 = arith.constant 0 : i32
      %dma_start3A_847 = arith.constant 0 : i32
      %dma_start3A_848 = tpu.memref_slice %arg7[%dma_start3A_846, %dma_start3A_847] : memref<1000x128xf32, #tpu.memory_space<vmem_shared>> -> memref<1000x128xf32, #tpu.memory_space<vmem_shared>>
      tpu.enqueue_indirect_dma source(%dma_start3A_848 : memref<1000x128xf32, #tpu.memory_space<vmem_shared>>) target(%dma_start3A_842 : memref<128x128xf32, #tpu.memory_space<vmem>>) offsets(%dma_start3A_845 : memref<128xi32, #tpu.memory_space<vmem>>) semaphore(%arg8 : memref<!tpu.dma_semaphore, #tpu.memory_space<semaphore_mem>>)
      %dma_wait3A_849 = arith.constant 0 : i32
      %dma_wait3A_850 = arith.constant 4 : i32
      %dma_wait3A_851 = arith.constant 0 : i32
      %dma_wait3A_852 = arith.constant 0 : i32
      %dma_wait3A_853 = tpu.memref_slice %arg6[%dma_wait3A_850, %dma_wait3A_851, %dma_wait3A_852] : memref<5x128x128xf32, #tpu.memory_space<vmem>> -> memref<1x128x128xf32, #tpu.memory_space<vmem>>
      %dma_wait3A_854 = tpu.memref_squeeze %dma_wait3A_853 : memref<1x128x128xf32, #tpu.memory_space<vmem>> -> memref<128x128xf32, #tpu.memory_space<vmem>>
      %dma_wait3A_855 = arith.constant 0 : i32
      %dma_wait3A_856 = tpu.memref_slice %arg5[%dma_wait3A_849, %dma_wait3A_855] : memref<50x128xi32, #tpu.memory_space<vmem>> -> memref<1x128xi32, #tpu.memory_space<vmem>>
      %dma_wait3A_857 = tpu.memref_squeeze %dma_wait3A_856 : memref<1x128xi32, #tpu.memory_space<vmem>> -> memref<128xi32, #tpu.memory_space<vmem>>
      %dma_wait3A_858 = arith.constant 0 : i32
      %dma_wait3A_859 = arith.constant 0 : i32
      %dma_wait3A_860 = tpu.memref_slice %arg7[%dma_wait3A_858, %dma_wait3A_859] : memref<1000x128xf32, #tpu.memory_space<vmem_shared>> -> memref<1000x128xf32, #tpu.memory_space<vmem_shared>>
      tpu.wait_indirect_dma semaphore(%arg12 : memref<!tpu.dma_semaphore, #tpu.memory_space<semaphore_mem>>) src(%dma_wait3A_860 : memref<1000x128xf32, #tpu.memory_space<vmem_shared>>) dst(%dma_wait3A_854 : memref<128x128xf32, #tpu.memory_space<vmem>>)
      %dma_start3A_861 = arith.constant 4 : i32
      %dma_start3A_862 = arith.constant 0 : i32
      %dma_start3A_863 = arith.constant 0 : i32
      %dma_start3A_864 = tpu.memref_slice %arg6[%dma_start3A_861, %dma_start3A_862, %dma_start3A_863] : memref<5x128x128xf32, #tpu.memory_space<vmem>> -> memref<1x128x128xf32, #tpu.memory_space<vmem>>
      %dma_start3A_865 = tpu.memref_squeeze %dma_start3A_864 : memref<1x128x128xf32, #tpu.memory_space<vmem>> -> memref<128x128xf32, #tpu.memory_space<vmem>>
      %dma_start3A_866 = arith.constant 0 : i32
      %dma_start3A_867 = tpu.memref_slice %arg4[%add3A_819, %mul3A_2, %dma_start3A_866] : memref<50x4096x128xf32, #tpu.memory_space<hbm>> -> memref<1x128x128xf32, #tpu.memory_space<hbm>>
      %dma_start3A_868 = tpu.memref_squeeze %dma_start3A_867 : memref<1x128x128xf32, #tpu.memory_space<hbm>> -> memref<128x128xf32, #tpu.memory_space<hbm>>
      %dma_start3A_869 = arith.constant 0 : i32
      %dma_start3A_870 = tpu.memref_slice %arg4[%add3A_819, %mul3A_2, %dma_start3A_869] : memref<50x4096x128xf32, #tpu.memory_space<hbm>> -> memref<1x128x128xf32, #tpu.memory_space<hbm>>
      %dma_start3A_871 = tpu.memref_squeeze %dma_start3A_870 : memref<1x128x128xf32, #tpu.memory_space<hbm>> -> memref<128x128xf32, #tpu.memory_space<hbm>>
      %dma_start3A_872 = arith.constant 0 : i32
      %dma_start3A_873 = arith.constant 0 : i32
      %dma_start3A_874 = tpu.memref_slice %arg6[%dma_start3A_861, %dma_start3A_872, %dma_start3A_873] : memref<5x128x128xf32, #tpu.memory_space<vmem>> -> memref<1x128x128xf32, #tpu.memory_space<vmem>>
      %dma_start3A_875 = tpu.memref_squeeze %dma_start3A_874 : memref<1x128x128xf32, #tpu.memory_space<vmem>> -> memref<128x128xf32, #tpu.memory_space<vmem>>
      tpu.enqueue_dma source(%dma_start3A_875 : memref<128x128xf32, #tpu.memory_space<vmem>>) target(%dma_start3A_871 : memref<128x128xf32, #tpu.memory_space<hbm>>) target_semaphore(%arg17 : memref<!tpu.dma_semaphore, #tpu.memory_space<semaphore_mem>>)
    }
    %scan3A_248 = arith.constant 8 : i32
    %dma_wait3A_249 = arith.constant 1 : i32
    %dma_wait3A_250 = arith.constant 0 : i32
    %dma_wait3A_251 = arith.constant 0 : i32
    %dma_wait3A_252 = arith.constant 0 : i32
    %dma_wait3A_253 = tpu.memref_slice %arg6[%dma_wait3A_249, %dma_wait3A_251, %dma_wait3A_252] : memref<5x128x128xf32, #tpu.memory_space<vmem>> -> memref<1x128x128xf32, #tpu.memory_space<vmem>>
    %dma_wait3A_254 = tpu.memref_squeeze %dma_wait3A_253 : memref<1x128x128xf32, #tpu.memory_space<vmem>> -> memref<128x128xf32, #tpu.memory_space<vmem>>
    %dma_wait3A_255 = arith.constant 0 : i32
    %dma_wait3A_256 = tpu.memref_slice %arg4[%dma_wait3A_250, %mul3A_2, %dma_wait3A_255] : memref<50x4096x128xf32, #tpu.memory_space<hbm>> -> memref<1x128x128xf32, #tpu.memory_space<hbm>>
    %dma_wait3A_257 = tpu.memref_squeeze %dma_wait3A_256 : memref<1x128x128xf32, #tpu.memory_space<hbm>> -> memref<128x128xf32, #tpu.memory_space<hbm>>
    %dma_wait3A_258 = arith.constant 0 : i32
    %dma_wait3A_259 = tpu.memref_slice %arg4[%dma_wait3A_250, %mul3A_2, %dma_wait3A_258] : memref<50x4096x128xf32, #tpu.memory_space<hbm>> -> memref<1x128x128xf32, #tpu.memory_space<hbm>>
    %dma_wait3A_260 = tpu.memref_squeeze %dma_wait3A_259 : memref<1x128x128xf32, #tpu.memory_space<hbm>> -> memref<128x128xf32, #tpu.memory_space<hbm>>
    %dma_wait3A_261 = arith.constant 0 : i32
    %dma_wait3A_262 = arith.constant 0 : i32
    %dma_wait3A_263 = tpu.memref_slice %arg6[%dma_wait3A_249, %dma_wait3A_261, %dma_wait3A_262] : memref<5x128x128xf32, #tpu.memory_space<vmem>> -> memref<1x128x128xf32, #tpu.memory_space<vmem>>
    %dma_wait3A_264 = tpu.memref_squeeze %dma_wait3A_263 : memref<1x128x128xf32, #tpu.memory_space<vmem>> -> memref<128x128xf32, #tpu.memory_space<vmem>>
    tpu.wait_dma2 semaphore(%arg14 : memref<!tpu.dma_semaphore, #tpu.memory_space<semaphore_mem>>) src(%dma_wait3A_264 : memref<128x128xf32, #tpu.memory_space<vmem>>) dst(%dma_wait3A_260 : memref<128x128xf32, #tpu.memory_space<hbm>>)
    %dma_start3A_265 = arith.constant 46 : i32
    %dma_start3A_266 = arith.constant 1 : i32
    %dma_start3A_267 = arith.constant 0 : i32
    %dma_start3A_268 = arith.constant 0 : i32
    %dma_start3A_269 = tpu.memref_slice %arg6[%dma_start3A_266, %dma_start3A_267, %dma_start3A_268] : memref<5x128x128xf32, #tpu.memory_space<vmem>> -> memref<1x128x128xf32, #tpu.memory_space<vmem>>
    %dma_start3A_270 = tpu.memref_squeeze %dma_start3A_269 : memref<1x128x128xf32, #tpu.memory_space<vmem>> -> memref<128x128xf32, #tpu.memory_space<vmem>>
    %dma_start3A_271 = arith.constant 0 : i32
    %dma_start3A_272 = tpu.memref_slice %arg5[%dma_start3A_265, %dma_start3A_271] : memref<50x128xi32, #tpu.memory_space<vmem>> -> memref<1x128xi32, #tpu.memory_space<vmem>>
    %dma_start3A_273 = tpu.memref_squeeze %dma_start3A_272 : memref<1x128xi32, #tpu.memory_space<vmem>> -> memref<128xi32, #tpu.memory_space<vmem>>
    %dma_start3A_274 = arith.constant 0 : i32
    %dma_start3A_275 = arith.constant 0 : i32
    %dma_start3A_276 = tpu.memref_slice %arg7[%dma_start3A_274, %dma_start3A_275] : memref<1000x128xf32, #tpu.memory_space<vmem_shared>> -> memref<1000x128xf32, #tpu.memory_space<vmem_shared>>
    tpu.enqueue_indirect_dma source(%dma_start3A_276 : memref<1000x128xf32, #tpu.memory_space<vmem_shared>>) target(%dma_start3A_270 : memref<128x128xf32, #tpu.memory_space<vmem>>) offsets(%dma_start3A_273 : memref<128xi32, #tpu.memory_space<vmem>>) semaphore(%arg9 : memref<!tpu.dma_semaphore, #tpu.memory_space<semaphore_mem>>)
    %dma_wait3A_277 = arith.constant 0 : i32
    %dma_wait3A_278 = arith.constant 0 : i32
    %dma_wait3A_279 = arith.constant 0 : i32
    %dma_wait3A_280 = arith.constant 0 : i32
    %dma_wait3A_281 = tpu.memref_slice %arg6[%dma_wait3A_278, %dma_wait3A_279, %dma_wait3A_280] : memref<5x128x128xf32, #tpu.memory_space<vmem>> -> memref<1x128x128xf32, #tpu.memory_space<vmem>>
    %dma_wait3A_282 = tpu.memref_squeeze %dma_wait3A_281 : memref<1x128x128xf32, #tpu.memory_space<vmem>> -> memref<128x128xf32, #tpu.memory_space<vmem>>
    %dma_wait3A_283 = arith.constant 0 : i32
    %dma_wait3A_284 = tpu.memref_slice %arg5[%dma_wait3A_277, %dma_wait3A_283] : memref<50x128xi32, #tpu.memory_space<vmem>> -> memref<1x128xi32, #tpu.memory_space<vmem>>
    %dma_wait3A_285 = tpu.memref_squeeze %dma_wait3A_284 : memref<1x128xi32, #tpu.memory_space<vmem>> -> memref<128xi32, #tpu.memory_space<vmem>>
    %dma_wait3A_286 = arith.constant 0 : i32
    %dma_wait3A_287 = arith.constant 0 : i32
    %dma_wait3A_288 = tpu.memref_slice %arg7[%dma_wait3A_286, %dma_wait3A_287] : memref<1000x128xf32, #tpu.memory_space<vmem_shared>> -> memref<1000x128xf32, #tpu.memory_space<vmem_shared>>
    tpu.wait_indirect_dma semaphore(%arg8 : memref<!tpu.dma_semaphore, #tpu.memory_space<semaphore_mem>>) src(%dma_wait3A_288 : memref<1000x128xf32, #tpu.memory_space<vmem_shared>>) dst(%dma_wait3A_282 : memref<128x128xf32, #tpu.memory_space<vmem>>)
    %dma_start3A_289 = arith.constant 0 : i32
    %dma_start3A_290 = arith.constant 45 : i32
    %dma_start3A_291 = arith.constant 0 : i32
    %dma_start3A_292 = arith.constant 0 : i32
    %dma_start3A_293 = tpu.memref_slice %arg6[%dma_start3A_289, %dma_start3A_291, %dma_start3A_292] : memref<5x128x128xf32, #tpu.memory_space<vmem>> -> memref<1x128x128xf32, #tpu.memory_space<vmem>>
    %dma_start3A_294 = tpu.memref_squeeze %dma_start3A_293 : memref<1x128x128xf32, #tpu.memory_space<vmem>> -> memref<128x128xf32, #tpu.memory_space<vmem>>
    %dma_start3A_295 = arith.constant 0 : i32
    %dma_start3A_296 = tpu.memref_slice %arg4[%dma_start3A_290, %mul3A_2, %dma_start3A_295] : memref<50x4096x128xf32, #tpu.memory_space<hbm>> -> memref<1x128x128xf32, #tpu.memory_space<hbm>>
    %dma_start3A_297 = tpu.memref_squeeze %dma_start3A_296 : memref<1x128x128xf32, #tpu.memory_space<hbm>> -> memref<128x128xf32, #tpu.memory_space<hbm>>
    %dma_start3A_298 = arith.constant 0 : i32
    %dma_start3A_299 = tpu.memref_slice %arg4[%dma_start3A_290, %mul3A_2, %dma_start3A_298] : memref<50x4096x128xf32, #tpu.memory_space<hbm>> -> memref<1x128x128xf32, #tpu.memory_space<hbm>>
    %dma_start3A_300 = tpu.memref_squeeze %dma_start3A_299 : memref<1x128x128xf32, #tpu.memory_space<hbm>> -> memref<128x128xf32, #tpu.memory_space<hbm>>
    %dma_start3A_301 = arith.constant 0 : i32
    %dma_start3A_302 = arith.constant 0 : i32
    %dma_start3A_303 = tpu.memref_slice %arg6[%dma_start3A_289, %dma_start3A_301, %dma_start3A_302] : memref<5x128x128xf32, #tpu.memory_space<vmem>> -> memref<1x128x128xf32, #tpu.memory_space<vmem>>
    %dma_start3A_304 = tpu.memref_squeeze %dma_start3A_303 : memref<1x128x128xf32, #tpu.memory_space<vmem>> -> memref<128x128xf32, #tpu.memory_space<vmem>>
    tpu.enqueue_dma source(%dma_start3A_304 : memref<128x128xf32, #tpu.memory_space<vmem>>) target(%dma_start3A_300 : memref<128x128xf32, #tpu.memory_space<hbm>>) target_semaphore(%arg13 : memref<!tpu.dma_semaphore, #tpu.memory_space<semaphore_mem>>)
    %dma_wait3A_305 = arith.constant 2 : i32
    %dma_wait3A_306 = arith.constant 0 : i32
    %dma_wait3A_307 = arith.constant 0 : i32
    %dma_wait3A_308 = arith.constant 0 : i32
    %dma_wait3A_309 = tpu.memref_slice %arg6[%dma_wait3A_305, %dma_wait3A_307, %dma_wait3A_308] : memref<5x128x128xf32, #tpu.memory_space<vmem>> -> memref<1x128x128xf32, #tpu.memory_space<vmem>>
    %dma_wait3A_310 = tpu.memref_squeeze %dma_wait3A_309 : memref<1x128x128xf32, #tpu.memory_space<vmem>> -> memref<128x128xf32, #tpu.memory_space<vmem>>
    %dma_wait3A_311 = arith.constant 0 : i32
    %dma_wait3A_312 = tpu.memref_slice %arg4[%dma_wait3A_306, %mul3A_2, %dma_wait3A_311] : memref<50x4096x128xf32, #tpu.memory_space<hbm>> -> memref<1x128x128xf32, #tpu.memory_space<hbm>>
    %dma_wait3A_313 = tpu.memref_squeeze %dma_wait3A_312 : memref<1x128x128xf32, #tpu.memory_space<hbm>> -> memref<128x128xf32, #tpu.memory_space<hbm>>
    %dma_wait3A_314 = arith.constant 0 : i32
    %dma_wait3A_315 = tpu.memref_slice %arg4[%dma_wait3A_306, %mul3A_2, %dma_wait3A_314] : memref<50x4096x128xf32, #tpu.memory_space<hbm>> -> memref<1x128x128xf32, #tpu.memory_space<hbm>>
    %dma_wait3A_316 = tpu.memref_squeeze %dma_wait3A_315 : memref<1x128x128xf32, #tpu.memory_space<hbm>> -> memref<128x128xf32, #tpu.memory_space<hbm>>
    %dma_wait3A_317 = arith.constant 0 : i32
    %dma_wait3A_318 = arith.constant 0 : i32
    %dma_wait3A_319 = tpu.memref_slice %arg6[%dma_wait3A_305, %dma_wait3A_317, %dma_wait3A_318] : memref<5x128x128xf32, #tpu.memory_space<vmem>> -> memref<1x128x128xf32, #tpu.memory_space<vmem>>
    %dma_wait3A_320 = tpu.memref_squeeze %dma_wait3A_319 : memref<1x128x128xf32, #tpu.memory_space<vmem>> -> memref<128x128xf32, #tpu.memory_space<vmem>>
    tpu.wait_dma2 semaphore(%arg15 : memref<!tpu.dma_semaphore, #tpu.memory_space<semaphore_mem>>) src(%dma_wait3A_320 : memref<128x128xf32, #tpu.memory_space<vmem>>) dst(%dma_wait3A_316 : memref<128x128xf32, #tpu.memory_space<hbm>>)
    %dma_start3A_321 = arith.constant 47 : i32
    %dma_start3A_322 = arith.constant 2 : i32
    %dma_start3A_323 = arith.constant 0 : i32
    %dma_start3A_324 = arith.constant 0 : i32
    %dma_start3A_325 = tpu.memref_slice %arg6[%dma_start3A_322, %dma_start3A_323, %dma_start3A_324] : memref<5x128x128xf32, #tpu.memory_space<vmem>> -> memref<1x128x128xf32, #tpu.memory_space<vmem>>
    %dma_start3A_326 = tpu.memref_squeeze %dma_start3A_325 : memref<1x128x128xf32, #tpu.memory_space<vmem>> -> memref<128x128xf32, #tpu.memory_space<vmem>>
    %dma_start3A_327 = arith.constant 0 : i32
    %dma_start3A_328 = tpu.memref_slice %arg5[%dma_start3A_321, %dma_start3A_327] : memref<50x128xi32, #tpu.memory_space<vmem>> -> memref<1x128xi32, #tpu.memory_space<vmem>>
    %dma_start3A_329 = tpu.memref_squeeze %dma_start3A_328 : memref<1x128xi32, #tpu.memory_space<vmem>> -> memref<128xi32, #tpu.memory_space<vmem>>
    %dma_start3A_330 = arith.constant 0 : i32
    %dma_start3A_331 = arith.constant 0 : i32
    %dma_start3A_332 = tpu.memref_slice %arg7[%dma_start3A_330, %dma_start3A_331] : memref<1000x128xf32, #tpu.memory_space<vmem_shared>> -> memref<1000x128xf32, #tpu.memory_space<vmem_shared>>
    tpu.enqueue_indirect_dma source(%dma_start3A_332 : memref<1000x128xf32, #tpu.memory_space<vmem_shared>>) target(%dma_start3A_326 : memref<128x128xf32, #tpu.memory_space<vmem>>) offsets(%dma_start3A_329 : memref<128xi32, #tpu.memory_space<vmem>>) semaphore(%arg10 : memref<!tpu.dma_semaphore, #tpu.memory_space<semaphore_mem>>)
    %dma_wait3A_333 = arith.constant 0 : i32
    %dma_wait3A_334 = arith.constant 1 : i32
    %dma_wait3A_335 = arith.constant 0 : i32
    %dma_wait3A_336 = arith.constant 0 : i32
    %dma_wait3A_337 = tpu.memref_slice %arg6[%dma_wait3A_334, %dma_wait3A_335, %dma_wait3A_336] : memref<5x128x128xf32, #tpu.memory_space<vmem>> -> memref<1x128x128xf32, #tpu.memory_space<vmem>>
    %dma_wait3A_338 = tpu.memref_squeeze %dma_wait3A_337 : memref<1x128x128xf32, #tpu.memory_space<vmem>> -> memref<128x128xf32, #tpu.memory_space<vmem>>
    %dma_wait3A_339 = arith.constant 0 : i32
    %dma_wait3A_340 = tpu.memref_slice %arg5[%dma_wait3A_333, %dma_wait3A_339] : memref<50x128xi32, #tpu.memory_space<vmem>> -> memref<1x128xi32, #tpu.memory_space<vmem>>
    %dma_wait3A_341 = tpu.memref_squeeze %dma_wait3A_340 : memref<1x128xi32, #tpu.memory_space<vmem>> -> memref<128xi32, #tpu.memory_space<vmem>>
    %dma_wait3A_342 = arith.constant 0 : i32
    %dma_wait3A_343 = arith.constant 0 : i32
    %dma_wait3A_344 = tpu.memref_slice %arg7[%dma_wait3A_342, %dma_wait3A_343] : memref<1000x128xf32, #tpu.memory_space<vmem_shared>> -> memref<1000x128xf32, #tpu.memory_space<vmem_shared>>
    tpu.wait_indirect_dma semaphore(%arg9 : memref<!tpu.dma_semaphore, #tpu.memory_space<semaphore_mem>>) src(%dma_wait3A_344 : memref<1000x128xf32, #tpu.memory_space<vmem_shared>>) dst(%dma_wait3A_338 : memref<128x128xf32, #tpu.memory_space<vmem>>)
    %dma_start3A_345 = arith.constant 1 : i32
    %dma_start3A_346 = arith.constant 46 : i32
    %dma_start3A_347 = arith.constant 0 : i32
    %dma_start3A_348 = arith.constant 0 : i32
    %dma_start3A_349 = tpu.memref_slice %arg6[%dma_start3A_345, %dma_start3A_347, %dma_start3A_348] : memref<5x128x128xf32, #tpu.memory_space<vmem>> -> memref<1x128x128xf32, #tpu.memory_space<vmem>>
    %dma_start3A_350 = tpu.memref_squeeze %dma_start3A_349 : memref<1x128x128xf32, #tpu.memory_space<vmem>> -> memref<128x128xf32, #tpu.memory_space<vmem>>
    %dma_start3A_351 = arith.constant 0 : i32
    %dma_start3A_352 = tpu.memref_slice %arg4[%dma_start3A_346, %mul3A_2, %dma_start3A_351] : memref<50x4096x128xf32, #tpu.memory_space<hbm>> -> memref<1x128x128xf32, #tpu.memory_space<hbm>>
    %dma_start3A_353 = tpu.memref_squeeze %dma_start3A_352 : memref<1x128x128xf32, #tpu.memory_space<hbm>> -> memref<128x128xf32, #tpu.memory_space<hbm>>
    %dma_start3A_354 = arith.constant 0 : i32
    %dma_start3A_355 = tpu.memref_slice %arg4[%dma_start3A_346, %mul3A_2, %dma_start3A_354] : memref<50x4096x128xf32, #tpu.memory_space<hbm>> -> memref<1x128x128xf32, #tpu.memory_space<hbm>>
    %dma_start3A_356 = tpu.memref_squeeze %dma_start3A_355 : memref<1x128x128xf32, #tpu.memory_space<hbm>> -> memref<128x128xf32, #tpu.memory_space<hbm>>
    %dma_start3A_357 = arith.constant 0 : i32
    %dma_start3A_358 = arith.constant 0 : i32
    %dma_start3A_359 = tpu.memref_slice %arg6[%dma_start3A_345, %dma_start3A_357, %dma_start3A_358] : memref<5x128x128xf32, #tpu.memory_space<vmem>> -> memref<1x128x128xf32, #tpu.memory_space<vmem>>
    %dma_start3A_360 = tpu.memref_squeeze %dma_start3A_359 : memref<1x128x128xf32, #tpu.memory_space<vmem>> -> memref<128x128xf32, #tpu.memory_space<vmem>>
    tpu.enqueue_dma source(%dma_start3A_360 : memref<128x128xf32, #tpu.memory_space<vmem>>) target(%dma_start3A_356 : memref<128x128xf32, #tpu.memory_space<hbm>>) target_semaphore(%arg14 : memref<!tpu.dma_semaphore, #tpu.memory_space<semaphore_mem>>)
    %dma_wait3A_361 = arith.constant 3 : i32
    %dma_wait3A_362 = arith.constant 0 : i32
    %dma_wait3A_363 = arith.constant 0 : i32
    %dma_wait3A_364 = arith.constant 0 : i32
    %dma_wait3A_365 = tpu.memref_slice %arg6[%dma_wait3A_361, %dma_wait3A_363, %dma_wait3A_364] : memref<5x128x128xf32, #tpu.memory_space<vmem>> -> memref<1x128x128xf32, #tpu.memory_space<vmem>>
    %dma_wait3A_366 = tpu.memref_squeeze %dma_wait3A_365 : memref<1x128x128xf32, #tpu.memory_space<vmem>> -> memref<128x128xf32, #tpu.memory_space<vmem>>
    %dma_wait3A_367 = arith.constant 0 : i32
    %dma_wait3A_368 = tpu.memref_slice %arg4[%dma_wait3A_362, %mul3A_2, %dma_wait3A_367] : memref<50x4096x128xf32, #tpu.memory_space<hbm>> -> memref<1x128x128xf32, #tpu.memory_space<hbm>>
    %dma_wait3A_369 = tpu.memref_squeeze %dma_wait3A_368 : memref<1x128x128xf32, #tpu.memory_space<hbm>> -> memref<128x128xf32, #tpu.memory_space<hbm>>
    %dma_wait3A_370 = arith.constant 0 : i32
    %dma_wait3A_371 = tpu.memref_slice %arg4[%dma_wait3A_362, %mul3A_2, %dma_wait3A_370] : memref<50x4096x128xf32, #tpu.memory_space<hbm>> -> memref<1x128x128xf32, #tpu.memory_space<hbm>>
    %dma_wait3A_372 = tpu.memref_squeeze %dma_wait3A_371 : memref<1x128x128xf32, #tpu.memory_space<hbm>> -> memref<128x128xf32, #tpu.memory_space<hbm>>
    %dma_wait3A_373 = arith.constant 0 : i32
    %dma_wait3A_374 = arith.constant 0 : i32
    %dma_wait3A_375 = tpu.memref_slice %arg6[%dma_wait3A_361, %dma_wait3A_373, %dma_wait3A_374] : memref<5x128x128xf32, #tpu.memory_space<vmem>> -> memref<1x128x128xf32, #tpu.memory_space<vmem>>
    %dma_wait3A_376 = tpu.memref_squeeze %dma_wait3A_375 : memref<1x128x128xf32, #tpu.memory_space<vmem>> -> memref<128x128xf32, #tpu.memory_space<vmem>>
    tpu.wait_dma2 semaphore(%arg16 : memref<!tpu.dma_semaphore, #tpu.memory_space<semaphore_mem>>) src(%dma_wait3A_376 : memref<128x128xf32, #tpu.memory_space<vmem>>) dst(%dma_wait3A_372 : memref<128x128xf32, #tpu.memory_space<hbm>>)
    %dma_start3A_377 = arith.constant 48 : i32
    %dma_start3A_378 = arith.constant 3 : i32
    %dma_start3A_379 = arith.constant 0 : i32
    %dma_start3A_380 = arith.constant 0 : i32
    %dma_start3A_381 = tpu.memref_slice %arg6[%dma_start3A_378, %dma_start3A_379, %dma_start3A_380] : memref<5x128x128xf32, #tpu.memory_space<vmem>> -> memref<1x128x128xf32, #tpu.memory_space<vmem>>
    %dma_start3A_382 = tpu.memref_squeeze %dma_start3A_381 : memref<1x128x128xf32, #tpu.memory_space<vmem>> -> memref<128x128xf32, #tpu.memory_space<vmem>>
    %dma_start3A_383 = arith.constant 0 : i32
    %dma_start3A_384 = tpu.memref_slice %arg5[%dma_start3A_377, %dma_start3A_383] : memref<50x128xi32, #tpu.memory_space<vmem>> -> memref<1x128xi32, #tpu.memory_space<vmem>>
    %dma_start3A_385 = tpu.memref_squeeze %dma_start3A_384 : memref<1x128xi32, #tpu.memory_space<vmem>> -> memref<128xi32, #tpu.memory_space<vmem>>
    %dma_start3A_386 = arith.constant 0 : i32
    %dma_start3A_387 = arith.constant 0 : i32
    %dma_start3A_388 = tpu.memref_slice %arg7[%dma_start3A_386, %dma_start3A_387] : memref<1000x128xf32, #tpu.memory_space<vmem_shared>> -> memref<1000x128xf32, #tpu.memory_space<vmem_shared>>
    tpu.enqueue_indirect_dma source(%dma_start3A_388 : memref<1000x128xf32, #tpu.memory_space<vmem_shared>>) target(%dma_start3A_382 : memref<128x128xf32, #tpu.memory_space<vmem>>) offsets(%dma_start3A_385 : memref<128xi32, #tpu.memory_space<vmem>>) semaphore(%arg11 : memref<!tpu.dma_semaphore, #tpu.memory_space<semaphore_mem>>)
    %dma_wait3A_389 = arith.constant 0 : i32
    %dma_wait3A_390 = arith.constant 2 : i32
    %dma_wait3A_391 = arith.constant 0 : i32
    %dma_wait3A_392 = arith.constant 0 : i32
    %dma_wait3A_393 = tpu.memref_slice %arg6[%dma_wait3A_390, %dma_wait3A_391, %dma_wait3A_392] : memref<5x128x128xf32, #tpu.memory_space<vmem>> -> memref<1x128x128xf32, #tpu.memory_space<vmem>>
    %dma_wait3A_394 = tpu.memref_squeeze %dma_wait3A_393 : memref<1x128x128xf32, #tpu.memory_space<vmem>> -> memref<128x128xf32, #tpu.memory_space<vmem>>
    %dma_wait3A_395 = arith.constant 0 : i32
    %dma_wait3A_396 = tpu.memref_slice %arg5[%dma_wait3A_389, %dma_wait3A_395] : memref<50x128xi32, #tpu.memory_space<vmem>> -> memref<1x128xi32, #tpu.memory_space<vmem>>
    %dma_wait3A_397 = tpu.memref_squeeze %dma_wait3A_396 : memref<1x128xi32, #tpu.memory_space<vmem>> -> memref<128xi32, #tpu.memory_space<vmem>>
    %dma_wait3A_398 = arith.constant 0 : i32
    %dma_wait3A_399 = arith.constant 0 : i32
    %dma_wait3A_400 = tpu.memref_slice %arg7[%dma_wait3A_398, %dma_wait3A_399] : memref<1000x128xf32, #tpu.memory_space<vmem_shared>> -> memref<1000x128xf32, #tpu.memory_space<vmem_shared>>
    tpu.wait_indirect_dma semaphore(%arg10 : memref<!tpu.dma_semaphore, #tpu.memory_space<semaphore_mem>>) src(%dma_wait3A_400 : memref<1000x128xf32, #tpu.memory_space<vmem_shared>>) dst(%dma_wait3A_394 : memref<128x128xf32, #tpu.memory_space<vmem>>)
    %dma_start3A_401 = arith.constant 2 : i32
    %dma_start3A_402 = arith.constant 47 : i32
    %dma_start3A_403 = arith.constant 0 : i32
    %dma_start3A_404 = arith.constant 0 : i32
    %dma_start3A_405 = tpu.memref_slice %arg6[%dma_start3A_401, %dma_start3A_403, %dma_start3A_404] : memref<5x128x128xf32, #tpu.memory_space<vmem>> -> memref<1x128x128xf32, #tpu.memory_space<vmem>>
    %dma_start3A_406 = tpu.memref_squeeze %dma_start3A_405 : memref<1x128x128xf32, #tpu.memory_space<vmem>> -> memref<128x128xf32, #tpu.memory_space<vmem>>
    %dma_start3A_407 = arith.constant 0 : i32
    %dma_start3A_408 = tpu.memref_slice %arg4[%dma_start3A_402, %mul3A_2, %dma_start3A_407] : memref<50x4096x128xf32, #tpu.memory_space<hbm>> -> memref<1x128x128xf32, #tpu.memory_space<hbm>>
    %dma_start3A_409 = tpu.memref_squeeze %dma_start3A_408 : memref<1x128x128xf32, #tpu.memory_space<hbm>> -> memref<128x128xf32, #tpu.memory_space<hbm>>
    %dma_start3A_410 = arith.constant 0 : i32
    %dma_start3A_411 = tpu.memref_slice %arg4[%dma_start3A_402, %mul3A_2, %dma_start3A_410] : memref<50x4096x128xf32, #tpu.memory_space<hbm>> -> memref<1x128x128xf32, #tpu.memory_space<hbm>>
    %dma_start3A_412 = tpu.memref_squeeze %dma_start3A_411 : memref<1x128x128xf32, #tpu.memory_space<hbm>> -> memref<128x128xf32, #tpu.memory_space<hbm>>
    %dma_start3A_413 = arith.constant 0 : i32
    %dma_start3A_414 = arith.constant 0 : i32
    %dma_start3A_415 = tpu.memref_slice %arg6[%dma_start3A_401, %dma_start3A_413, %dma_start3A_414] : memref<5x128x128xf32, #tpu.memory_space<vmem>> -> memref<1x128x128xf32, #tpu.memory_space<vmem>>
    %dma_start3A_416 = tpu.memref_squeeze %dma_start3A_415 : memref<1x128x128xf32, #tpu.memory_space<vmem>> -> memref<128x128xf32, #tpu.memory_space<vmem>>
    tpu.enqueue_dma source(%dma_start3A_416 : memref<128x128xf32, #tpu.memory_space<vmem>>) target(%dma_start3A_412 : memref<128x128xf32, #tpu.memory_space<hbm>>) target_semaphore(%arg15 : memref<!tpu.dma_semaphore, #tpu.memory_space<semaphore_mem>>)
    %dma_wait3A_417 = arith.constant 4 : i32
    %dma_wait3A_418 = arith.constant 0 : i32
    %dma_wait3A_419 = arith.constant 0 : i32
    %dma_wait3A_420 = arith.constant 0 : i32
    %dma_wait3A_421 = tpu.memref_slice %arg6[%dma_wait3A_417, %dma_wait3A_419, %dma_wait3A_420] : memref<5x128x128xf32, #tpu.memory_space<vmem>> -> memref<1x128x128xf32, #tpu.memory_space<vmem>>
    %dma_wait3A_422 = tpu.memref_squeeze %dma_wait3A_421 : memref<1x128x128xf32, #tpu.memory_space<vmem>> -> memref<128x128xf32, #tpu.memory_space<vmem>>
    %dma_wait3A_423 = arith.constant 0 : i32
    %dma_wait3A_424 = tpu.memref_slice %arg4[%dma_wait3A_418, %mul3A_2, %dma_wait3A_423] : memref<50x4096x128xf32, #tpu.memory_space<hbm>> -> memref<1x128x128xf32, #tpu.memory_space<hbm>>
    %dma_wait3A_425 = tpu.memref_squeeze %dma_wait3A_424 : memref<1x128x128xf32, #tpu.memory_space<hbm>> -> memref<128x128xf32, #tpu.memory_space<hbm>>
    %dma_wait3A_426 = arith.constant 0 : i32
    %dma_wait3A_427 = tpu.memref_slice %arg4[%dma_wait3A_418, %mul3A_2, %dma_wait3A_426] : memref<50x4096x128xf32, #tpu.memory_space<hbm>> -> memref<1x128x128xf32, #tpu.memory_space<hbm>>
    %dma_wait3A_428 = tpu.memref_squeeze %dma_wait3A_427 : memref<1x128x128xf32, #tpu.memory_space<hbm>> -> memref<128x128xf32, #tpu.memory_space<hbm>>
    %dma_wait3A_429 = arith.constant 0 : i32
    %dma_wait3A_430 = arith.constant 0 : i32
    %dma_wait3A_431 = tpu.memref_slice %arg6[%dma_wait3A_417, %dma_wait3A_429, %dma_wait3A_430] : memref<5x128x128xf32, #tpu.memory_space<vmem>> -> memref<1x128x128xf32, #tpu.memory_space<vmem>>
    %dma_wait3A_432 = tpu.memref_squeeze %dma_wait3A_431 : memref<1x128x128xf32, #tpu.memory_space<vmem>> -> memref<128x128xf32, #tpu.memory_space<vmem>>
    tpu.wait_dma2 semaphore(%arg17 : memref<!tpu.dma_semaphore, #tpu.memory_space<semaphore_mem>>) src(%dma_wait3A_432 : memref<128x128xf32, #tpu.memory_space<vmem>>) dst(%dma_wait3A_428 : memref<128x128xf32, #tpu.memory_space<hbm>>)
    %dma_start3A_433 = arith.constant 49 : i32
    %dma_start3A_434 = arith.constant 4 : i32
    %dma_start3A_435 = arith.constant 0 : i32
    %dma_start3A_436 = arith.constant 0 : i32
    %dma_start3A_437 = tpu.memref_slice %arg6[%dma_start3A_434, %dma_start3A_435, %dma_start3A_436] : memref<5x128x128xf32, #tpu.memory_space<vmem>> -> memref<1x128x128xf32, #tpu.memory_space<vmem>>
    %dma_start3A_438 = tpu.memref_squeeze %dma_start3A_437 : memref<1x128x128xf32, #tpu.memory_space<vmem>> -> memref<128x128xf32, #tpu.memory_space<vmem>>
    %dma_start3A_439 = arith.constant 0 : i32
    %dma_start3A_440 = tpu.memref_slice %arg5[%dma_start3A_433, %dma_start3A_439] : memref<50x128xi32, #tpu.memory_space<vmem>> -> memref<1x128xi32, #tpu.memory_space<vmem>>
    %dma_start3A_441 = tpu.memref_squeeze %dma_start3A_440 : memref<1x128xi32, #tpu.memory_space<vmem>> -> memref<128xi32, #tpu.memory_space<vmem>>
    %dma_start3A_442 = arith.constant 0 : i32
    %dma_start3A_443 = arith.constant 0 : i32
    %dma_start3A_444 = tpu.memref_slice %arg7[%dma_start3A_442, %dma_start3A_443] : memref<1000x128xf32, #tpu.memory_space<vmem_shared>> -> memref<1000x128xf32, #tpu.memory_space<vmem_shared>>
    tpu.enqueue_indirect_dma source(%dma_start3A_444 : memref<1000x128xf32, #tpu.memory_space<vmem_shared>>) target(%dma_start3A_438 : memref<128x128xf32, #tpu.memory_space<vmem>>) offsets(%dma_start3A_441 : memref<128xi32, #tpu.memory_space<vmem>>) semaphore(%arg12 : memref<!tpu.dma_semaphore, #tpu.memory_space<semaphore_mem>>)
    %dma_wait3A_445 = arith.constant 0 : i32
    %dma_wait3A_446 = arith.constant 3 : i32
    %dma_wait3A_447 = arith.constant 0 : i32
    %dma_wait3A_448 = arith.constant 0 : i32
    %dma_wait3A_449 = tpu.memref_slice %arg6[%dma_wait3A_446, %dma_wait3A_447, %dma_wait3A_448] : memref<5x128x128xf32, #tpu.memory_space<vmem>> -> memref<1x128x128xf32, #tpu.memory_space<vmem>>
    %dma_wait3A_450 = tpu.memref_squeeze %dma_wait3A_449 : memref<1x128x128xf32, #tpu.memory_space<vmem>> -> memref<128x128xf32, #tpu.memory_space<vmem>>
    %dma_wait3A_451 = arith.constant 0 : i32
    %dma_wait3A_452 = tpu.memref_slice %arg5[%dma_wait3A_445, %dma_wait3A_451] : memref<50x128xi32, #tpu.memory_space<vmem>> -> memref<1x128xi32, #tpu.memory_space<vmem>>
    %dma_wait3A_453 = tpu.memref_squeeze %dma_wait3A_452 : memref<1x128xi32, #tpu.memory_space<vmem>> -> memref<128xi32, #tpu.memory_space<vmem>>
    %dma_wait3A_454 = arith.constant 0 : i32
    %dma_wait3A_455 = arith.constant 0 : i32
    %dma_wait3A_456 = tpu.memref_slice %arg7[%dma_wait3A_454, %dma_wait3A_455] : memref<1000x128xf32, #tpu.memory_space<vmem_shared>> -> memref<1000x128xf32, #tpu.memory_space<vmem_shared>>
    tpu.wait_indirect_dma semaphore(%arg11 : memref<!tpu.dma_semaphore, #tpu.memory_space<semaphore_mem>>) src(%dma_wait3A_456 : memref<1000x128xf32, #tpu.memory_space<vmem_shared>>) dst(%dma_wait3A_450 : memref<128x128xf32, #tpu.memory_space<vmem>>)
    %dma_start3A_457 = arith.constant 3 : i32
    %dma_start3A_458 = arith.constant 48 : i32
    %dma_start3A_459 = arith.constant 0 : i32
    %dma_start3A_460 = arith.constant 0 : i32
    %dma_start3A_461 = tpu.memref_slice %arg6[%dma_start3A_457, %dma_start3A_459, %dma_start3A_460] : memref<5x128x128xf32, #tpu.memory_space<vmem>> -> memref<1x128x128xf32, #tpu.memory_space<vmem>>
    %dma_start3A_462 = tpu.memref_squeeze %dma_start3A_461 : memref<1x128x128xf32, #tpu.memory_space<vmem>> -> memref<128x128xf32, #tpu.memory_space<vmem>>
    %dma_start3A_463 = arith.constant 0 : i32
    %dma_start3A_464 = tpu.memref_slice %arg4[%dma_start3A_458, %mul3A_2, %dma_start3A_463] : memref<50x4096x128xf32, #tpu.memory_space<hbm>> -> memref<1x128x128xf32, #tpu.memory_space<hbm>>
    %dma_start3A_465 = tpu.memref_squeeze %dma_start3A_464 : memref<1x128x128xf32, #tpu.memory_space<hbm>> -> memref<128x128xf32, #tpu.memory_space<hbm>>
    %dma_start3A_466 = arith.constant 0 : i32
    %dma_start3A_467 = tpu.memref_slice %arg4[%dma_start3A_458, %mul3A_2, %dma_start3A_466] : memref<50x4096x128xf32, #tpu.memory_space<hbm>> -> memref<1x128x128xf32, #tpu.memory_space<hbm>>
    %dma_start3A_468 = tpu.memref_squeeze %dma_start3A_467 : memref<1x128x128xf32, #tpu.memory_space<hbm>> -> memref<128x128xf32, #tpu.memory_space<hbm>>
    %dma_start3A_469 = arith.constant 0 : i32
    %dma_start3A_470 = arith.constant 0 : i32
    %dma_start3A_471 = tpu.memref_slice %arg6[%dma_start3A_457, %dma_start3A_469, %dma_start3A_470] : memref<5x128x128xf32, #tpu.memory_space<vmem>> -> memref<1x128x128xf32, #tpu.memory_space<vmem>>
    %dma_start3A_472 = tpu.memref_squeeze %dma_start3A_471 : memref<1x128x128xf32, #tpu.memory_space<vmem>> -> memref<128x128xf32, #tpu.memory_space<vmem>>
    tpu.enqueue_dma source(%dma_start3A_472 : memref<128x128xf32, #tpu.memory_space<vmem>>) target(%dma_start3A_468 : memref<128x128xf32, #tpu.memory_space<hbm>>) target_semaphore(%arg16 : memref<!tpu.dma_semaphore, #tpu.memory_space<semaphore_mem>>)
    %dma_wait3A_473 = arith.constant 0 : i32
    %dma_wait3A_474 = arith.constant 4 : i32
    %dma_wait3A_475 = arith.constant 0 : i32
    %dma_wait3A_476 = arith.constant 0 : i32
    %dma_wait3A_477 = tpu.memref_slice %arg6[%dma_wait3A_474, %dma_wait3A_475, %dma_wait3A_476] : memref<5x128x128xf32, #tpu.memory_space<vmem>> -> memref<1x128x128xf32, #tpu.memory_space<vmem>>
    %dma_wait3A_478 = tpu.memref_squeeze %dma_wait3A_477 : memref<1x128x128xf32, #tpu.memory_space<vmem>> -> memref<128x128xf32, #tpu.memory_space<vmem>>
    %dma_wait3A_479 = arith.constant 0 : i32
    %dma_wait3A_480 = tpu.memref_slice %arg5[%dma_wait3A_473, %dma_wait3A_479] : memref<50x128xi32, #tpu.memory_space<vmem>> -> memref<1x128xi32, #tpu.memory_space<vmem>>
    %dma_wait3A_481 = tpu.memref_squeeze %dma_wait3A_480 : memref<1x128xi32, #tpu.memory_space<vmem>> -> memref<128xi32, #tpu.memory_space<vmem>>
    %dma_wait3A_482 = arith.constant 0 : i32
    %dma_wait3A_483 = arith.constant 0 : i32
    %dma_wait3A_484 = tpu.memref_slice %arg7[%dma_wait3A_482, %dma_wait3A_483] : memref<1000x128xf32, #tpu.memory_space<vmem_shared>> -> memref<1000x128xf32, #tpu.memory_space<vmem_shared>>
    tpu.wait_indirect_dma semaphore(%arg12 : memref<!tpu.dma_semaphore, #tpu.memory_space<semaphore_mem>>) src(%dma_wait3A_484 : memref<1000x128xf32, #tpu.memory_space<vmem_shared>>) dst(%dma_wait3A_478 : memref<128x128xf32, #tpu.memory_space<vmem>>)
    %dma_start3A_485 = arith.constant 4 : i32
    %dma_start3A_486 = arith.constant 49 : i32
    %dma_start3A_487 = arith.constant 0 : i32
    %dma_start3A_488 = arith.constant 0 : i32
    %dma_start3A_489 = tpu.memref_slice %arg6[%dma_start3A_485, %dma_start3A_487, %dma_start3A_488] : memref<5x128x128xf32, #tpu.memory_space<vmem>> -> memref<1x128x128xf32, #tpu.memory_space<vmem>>
    %dma_start3A_490 = tpu.memref_squeeze %dma_start3A_489 : memref<1x128x128xf32, #tpu.memory_space<vmem>> -> memref<128x128xf32, #tpu.memory_space<vmem>>
    %dma_start3A_491 = arith.constant 0 : i32
    %dma_start3A_492 = tpu.memref_slice %arg4[%dma_start3A_486, %mul3A_2, %dma_start3A_491] : memref<50x4096x128xf32, #tpu.memory_space<hbm>> -> memref<1x128x128xf32, #tpu.memory_space<hbm>>
    %dma_start3A_493 = tpu.memref_squeeze %dma_start3A_492 : memref<1x128x128xf32, #tpu.memory_space<hbm>> -> memref<128x128xf32, #tpu.memory_space<hbm>>
    %dma_start3A_494 = arith.constant 0 : i32
    %dma_start3A_495 = tpu.memref_slice %arg4[%dma_start3A_486, %mul3A_2, %dma_start3A_494] : memref<50x4096x128xf32, #tpu.memory_space<hbm>> -> memref<1x128x128xf32, #tpu.memory_space<hbm>>
    %dma_start3A_496 = tpu.memref_squeeze %dma_start3A_495 : memref<1x128x128xf32, #tpu.memory_space<hbm>> -> memref<128x128xf32, #tpu.memory_space<hbm>>
    %dma_start3A_497 = arith.constant 0 : i32
    %dma_start3A_498 = arith.constant 0 : i32
    %dma_start3A_499 = tpu.memref_slice %arg6[%dma_start3A_485, %dma_start3A_497, %dma_start3A_498] : memref<5x128x128xf32, #tpu.memory_space<vmem>> -> memref<1x128x128xf32, #tpu.memory_space<vmem>>
    %dma_start3A_500 = tpu.memref_squeeze %dma_start3A_499 : memref<1x128x128xf32, #tpu.memory_space<vmem>> -> memref<128x128xf32, #tpu.memory_space<vmem>>
    tpu.enqueue_dma source(%dma_start3A_500 : memref<128x128xf32, #tpu.memory_space<vmem>>) target(%dma_start3A_496 : memref<128x128xf32, #tpu.memory_space<hbm>>) target_semaphore(%arg17 : memref<!tpu.dma_semaphore, #tpu.memory_space<semaphore_mem>>)
    %dma_wait3A_501 = arith.constant 0 : i32
    %dma_wait3A_502 = arith.constant 0 : i32
    %dma_wait3A_503 = arith.constant 0 : i32
    %dma_wait3A_504 = arith.constant 0 : i32
    %dma_wait3A_505 = tpu.memref_slice %arg6[%dma_wait3A_501, %dma_wait3A_503, %dma_wait3A_504] : memref<5x128x128xf32, #tpu.memory_space<vmem>> -> memref<1x128x128xf32, #tpu.memory_space<vmem>>
    %dma_wait3A_506 = tpu.memref_squeeze %dma_wait3A_505 : memref<1x128x128xf32, #tpu.memory_space<vmem>> -> memref<128x128xf32, #tpu.memory_space<vmem>>
    %dma_wait3A_507 = arith.constant 0 : i32
    %dma_wait3A_508 = tpu.memref_slice %arg4[%dma_wait3A_502, %mul3A_2, %dma_wait3A_507] : memref<50x4096x128xf32, #tpu.memory_space<hbm>> -> memref<1x128x128xf32, #tpu.memory_space<hbm>>
    %dma_wait3A_509 = tpu.memref_squeeze %dma_wait3A_508 : memref<1x128x128xf32, #tpu.memory_space<hbm>> -> memref<128x128xf32, #tpu.memory_space<hbm>>
    %dma_wait3A_510 = arith.constant 0 : i32
    %dma_wait3A_511 = tpu.memref_slice %arg4[%dma_wait3A_502, %mul3A_2, %dma_wait3A_510] : memref<50x4096x128xf32, #tpu.memory_space<hbm>> -> memref<1x128x128xf32, #tpu.memory_space<hbm>>
    %dma_wait3A_512 = tpu.memref_squeeze %dma_wait3A_511 : memref<1x128x128xf32, #tpu.memory_space<hbm>> -> memref<128x128xf32, #tpu.memory_space<hbm>>
    %dma_wait3A_513 = arith.constant 0 : i32
    %dma_wait3A_514 = arith.constant 0 : i32
    %dma_wait3A_515 = tpu.memref_slice %arg6[%dma_wait3A_501, %dma_wait3A_513, %dma_wait3A_514] : memref<5x128x128xf32, #tpu.memory_space<vmem>> -> memref<1x128x128xf32, #tpu.memory_space<vmem>>
    %dma_wait3A_516 = tpu.memref_squeeze %dma_wait3A_515 : memref<1x128x128xf32, #tpu.memory_space<vmem>> -> memref<128x128xf32, #tpu.memory_space<vmem>>
    tpu.wait_dma2 semaphore(%arg13 : memref<!tpu.dma_semaphore, #tpu.memory_space<semaphore_mem>>) src(%dma_wait3A_516 : memref<128x128xf32, #tpu.memory_space<vmem>>) dst(%dma_wait3A_512 : memref<128x128xf32, #tpu.memory_space<hbm>>)
    %dma_wait3A_517 = arith.constant 1 : i32
    %dma_wait3A_518 = arith.constant 0 : i32
    %dma_wait3A_519 = arith.constant 0 : i32
    %dma_wait3A_520 = arith.constant 0 : i32
    %dma_wait3A_521 = tpu.memref_slice %arg6[%dma_wait3A_517, %dma_wait3A_519, %dma_wait3A_520] : memref<5x128x128xf32, #tpu.memory_space<vmem>> -> memref<1x128x128xf32, #tpu.memory_space<vmem>>
    %dma_wait3A_522 = tpu.memref_squeeze %dma_wait3A_521 : memref<1x128x128xf32, #tpu.memory_space<vmem>> -> memref<128x128xf32, #tpu.memory_space<vmem>>
    %dma_wait3A_523 = arith.constant 0 : i32
    %dma_wait3A_524 = tpu.memref_slice %arg4[%dma_wait3A_518, %mul3A_2, %dma_wait3A_523] : memref<50x4096x128xf32, #tpu.memory_space<hbm>> -> memref<1x128x128xf32, #tpu.memory_space<hbm>>
    %dma_wait3A_525 = tpu.memref_squeeze %dma_wait3A_524 : memref<1x128x128xf32, #tpu.memory_space<hbm>> -> memref<128x128xf32, #tpu.memory_space<hbm>>
    %dma_wait3A_526 = arith.constant 0 : i32
    %dma_wait3A_527 = tpu.memref_slice %arg4[%dma_wait3A_518, %mul3A_2, %dma_wait3A_526] : memref<50x4096x128xf32, #tpu.memory_space<hbm>> -> memref<1x128x128xf32, #tpu.memory_space<hbm>>
    %dma_wait3A_528 = tpu.memref_squeeze %dma_wait3A_527 : memref<1x128x128xf32, #tpu.memory_space<hbm>> -> memref<128x128xf32, #tpu.memory_space<hbm>>
    %dma_wait3A_529 = arith.constant 0 : i32
    %dma_wait3A_530 = arith.constant 0 : i32
    %dma_wait3A_531 = tpu.memref_slice %arg6[%dma_wait3A_517, %dma_wait3A_529, %dma_wait3A_530] : memref<5x128x128xf32, #tpu.memory_space<vmem>> -> memref<1x128x128xf32, #tpu.memory_space<vmem>>
    %dma_wait3A_532 = tpu.memref_squeeze %dma_wait3A_531 : memref<1x128x128xf32, #tpu.memory_space<vmem>> -> memref<128x128xf32, #tpu.memory_space<vmem>>
    tpu.wait_dma2 semaphore(%arg14 : memref<!tpu.dma_semaphore, #tpu.memory_space<semaphore_mem>>) src(%dma_wait3A_532 : memref<128x128xf32, #tpu.memory_space<vmem>>) dst(%dma_wait3A_528 : memref<128x128xf32, #tpu.memory_space<hbm>>)
    %dma_wait3A_533 = arith.constant 2 : i32
    %dma_wait3A_534 = arith.constant 0 : i32
    %dma_wait3A_535 = arith.constant 0 : i32
    %dma_wait3A_536 = arith.constant 0 : i32
    %dma_wait3A_537 = tpu.memref_slice %arg6[%dma_wait3A_533, %dma_wait3A_535, %dma_wait3A_536] : memref<5x128x128xf32, #tpu.memory_space<vmem>> -> memref<1x128x128xf32, #tpu.memory_space<vmem>>
    %dma_wait3A_538 = tpu.memref_squeeze %dma_wait3A_537 : memref<1x128x128xf32, #tpu.memory_space<vmem>> -> memref<128x128xf32, #tpu.memory_space<vmem>>
    %dma_wait3A_539 = arith.constant 0 : i32
    %dma_wait3A_540 = tpu.memref_slice %arg4[%dma_wait3A_534, %mul3A_2, %dma_wait3A_539] : memref<50x4096x128xf32, #tpu.memory_space<hbm>> -> memref<1x128x128xf32, #tpu.memory_space<hbm>>
    %dma_wait3A_541 = tpu.memref_squeeze %dma_wait3A_540 : memref<1x128x128xf32, #tpu.memory_space<hbm>> -> memref<128x128xf32, #tpu.memory_space<hbm>>
    %dma_wait3A_542 = arith.constant 0 : i32
    %dma_wait3A_543 = tpu.memref_slice %arg4[%dma_wait3A_534, %mul3A_2, %dma_wait3A_542] : memref<50x4096x128xf32, #tpu.memory_space<hbm>> -> memref<1x128x128xf32, #tpu.memory_space<hbm>>
    %dma_wait3A_544 = tpu.memref_squeeze %dma_wait3A_543 : memref<1x128x128xf32, #tpu.memory_space<hbm>> -> memref<128x128xf32, #tpu.memory_space<hbm>>
    %dma_wait3A_545 = arith.constant 0 : i32
    %dma_wait3A_546 = arith.constant 0 : i32
    %dma_wait3A_547 = tpu.memref_slice %arg6[%dma_wait3A_533, %dma_wait3A_545, %dma_wait3A_546] : memref<5x128x128xf32, #tpu.memory_space<vmem>> -> memref<1x128x128xf32, #tpu.memory_space<vmem>>
    %dma_wait3A_548 = tpu.memref_squeeze %dma_wait3A_547 : memref<1x128x128xf32, #tpu.memory_space<vmem>> -> memref<128x128xf32, #tpu.memory_space<vmem>>
    tpu.wait_dma2 semaphore(%arg15 : memref<!tpu.dma_semaphore, #tpu.memory_space<semaphore_mem>>) src(%dma_wait3A_548 : memref<128x128xf32, #tpu.memory_space<vmem>>) dst(%dma_wait3A_544 : memref<128x128xf32, #tpu.memory_space<hbm>>)
    %dma_wait3A_549 = arith.constant 3 : i32
    %dma_wait3A_550 = arith.constant 0 : i32
    %dma_wait3A_551 = arith.constant 0 : i32
    %dma_wait3A_552 = arith.constant 0 : i32
    %dma_wait3A_553 = tpu.memref_slice %arg6[%dma_wait3A_549, %dma_wait3A_551, %dma_wait3A_552] : memref<5x128x128xf32, #tpu.memory_space<vmem>> -> memref<1x128x128xf32, #tpu.memory_space<vmem>>
    %dma_wait3A_554 = tpu.memref_squeeze %dma_wait3A_553 : memref<1x128x128xf32, #tpu.memory_space<vmem>> -> memref<128x128xf32, #tpu.memory_space<vmem>>
    %dma_wait3A_555 = arith.constant 0 : i32
    %dma_wait3A_556 = tpu.memref_slice %arg4[%dma_wait3A_550, %mul3A_2, %dma_wait3A_555] : memref<50x4096x128xf32, #tpu.memory_space<hbm>> -> memref<1x128x128xf32, #tpu.memory_space<hbm>>
    %dma_wait3A_557 = tpu.memref_squeeze %dma_wait3A_556 : memref<1x128x128xf32, #tpu.memory_space<hbm>> -> memref<128x128xf32, #tpu.memory_space<hbm>>
    %dma_wait3A_558 = arith.constant 0 : i32
    %dma_wait3A_559 = tpu.memref_slice %arg4[%dma_wait3A_550, %mul3A_2, %dma_wait3A_558] : memref<50x4096x128xf32, #tpu.memory_space<hbm>> -> memref<1x128x128xf32, #tpu.memory_space<hbm>>
    %dma_wait3A_560 = tpu.memref_squeeze %dma_wait3A_559 : memref<1x128x128xf32, #tpu.memory_space<hbm>> -> memref<128x128xf32, #tpu.memory_space<hbm>>
    %dma_wait3A_561 = arith.constant 0 : i32
    %dma_wait3A_562 = arith.constant 0 : i32
    %dma_wait3A_563 = tpu.memref_slice %arg6[%dma_wait3A_549, %dma_wait3A_561, %dma_wait3A_562] : memref<5x128x128xf32, #tpu.memory_space<vmem>> -> memref<1x128x128xf32, #tpu.memory_space<vmem>>
    %dma_wait3A_564 = tpu.memref_squeeze %dma_wait3A_563 : memref<1x128x128xf32, #tpu.memory_space<vmem>> -> memref<128x128xf32, #tpu.memory_space<vmem>>
    tpu.wait_dma2 semaphore(%arg16 : memref<!tpu.dma_semaphore, #tpu.memory_space<semaphore_mem>>) src(%dma_wait3A_564 : memref<128x128xf32, #tpu.memory_space<vmem>>) dst(%dma_wait3A_560 : memref<128x128xf32, #tpu.memory_space<hbm>>)
    %dma_wait3A_565 = arith.constant 4 : i32
    %dma_wait3A_566 = arith.constant 0 : i32
    %dma_wait3A_567 = arith.constant 0 : i32
    %dma_wait3A_568 = arith.constant 0 : i32
    %dma_wait3A_569 = tpu.memref_slice %arg6[%dma_wait3A_565, %dma_wait3A_567, %dma_wait3A_568] : memref<5x128x128xf32, #tpu.memory_space<vmem>> -> memref<1x128x128xf32, #tpu.memory_space<vmem>>
    %dma_wait3A_570 = tpu.memref_squeeze %dma_wait3A_569 : memref<1x128x128xf32, #tpu.memory_space<vmem>> -> memref<128x128xf32, #tpu.memory_space<vmem>>
    %dma_wait3A_571 = arith.constant 0 : i32
    %dma_wait3A_572 = tpu.memref_slice %arg4[%dma_wait3A_566, %mul3A_2, %dma_wait3A_571] : memref<50x4096x128xf32, #tpu.memory_space<hbm>> -> memref<1x128x128xf32, #tpu.memory_space<hbm>>
    %dma_wait3A_573 = tpu.memref_squeeze %dma_wait3A_572 : memref<1x128x128xf32, #tpu.memory_space<hbm>> -> memref<128x128xf32, #tpu.memory_space<hbm>>
    %dma_wait3A_574 = arith.constant 0 : i32
    %dma_wait3A_575 = tpu.memref_slice %arg4[%dma_wait3A_566, %mul3A_2, %dma_wait3A_574] : memref<50x4096x128xf32, #tpu.memory_space<hbm>> -> memref<1x128x128xf32, #tpu.memory_space<hbm>>
    %dma_wait3A_576 = tpu.memref_squeeze %dma_wait3A_575 : memref<1x128x128xf32, #tpu.memory_space<hbm>> -> memref<128x128xf32, #tpu.memory_space<hbm>>
    %dma_wait3A_577 = arith.constant 0 : i32
    %dma_wait3A_578 = arith.constant 0 : i32
    %dma_wait3A_579 = tpu.memref_slice %arg6[%dma_wait3A_565, %dma_wait3A_577, %dma_wait3A_578] : memref<5x128x128xf32, #tpu.memory_space<vmem>> -> memref<1x128x128xf32, #tpu.memory_space<vmem>>
    %dma_wait3A_580 = tpu.memref_squeeze %dma_wait3A_579 : memref<1x128x128xf32, #tpu.memory_space<vmem>> -> memref<128x128xf32, #tpu.memory_space<vmem>>
    tpu.wait_dma2 semaphore(%arg17 : memref<!tpu.dma_semaphore, #tpu.memory_space<semaphore_mem>>) src(%dma_wait3A_580 : memref<128x128xf32, #tpu.memory_space<vmem>>) dst(%dma_wait3A_576 : memref<128x128xf32, #tpu.memory_space<hbm>>)
    return
  }
}

</mosaic_0001>

<sc_bundles>
// kernel: kernel.3.cloned.1.call-start
scs
__scs_entry_jumppad:
0x0: {  	(pc) =	sbr.rel $0x88, $3  }
0x1: {  	(tag) =	ssettag $0x0;
	lr =	simm.s32 $0x1  }
0x2: {  	[smem:$0x3F9F] =	sst lr;
	_ =	strace $0xD0000000  }
0x3: {  	_ = 	snop  }
0x4: {  	_ = 	snop  }
0x5: {  	_ = 	snop  }
0x6: {  	_ = 	snop  }
0x7: {  	_ = 	snop  }
__scs_overlays_trampoline_lowered:
0x8: {  	[smem:$0x3FAE] =	sst s0  }
0x9: {  	[smem:$0x3FAF] =	sst s1  }
0xa: {  	[smem:$0x3FB0] =	sst s2  }
0xb: {  	[smem:$0x3FB1] =	sst s3  }
0xc: {  	[smem:$0x3FB2] =	sst s4  }
0xd: {  	[smem:$0x3FB3] =	sst s5  }
0xe: {  	[smem:$0x3FB4] =	sst s6  }
0xf: {  	[smem:$0x3FB5] =	sst s7  }
0x10: {  	[smem:$0x3FB6] =	sst s8  }
0x11: {  	[smem:$0x3FB7] =	sst s9;
	s0 =	simm.s32 @!p0 $0x0  }
0x12: {  	s1 =	sld [smem:$0x3F9D];
	s0 =	simm.s32 @p0 $0x1  }
0x13: {  	[smem:$0x3FB8] =	sst s0;
	s0 =	simm.s32 @!p1 $0x0  }
0x14: {  	s2 =	sld [smem:$0x3F9C];
	s0 =	simm.s32 @p1 $0x1  }
0x15: {  	[smem:$0x3FB9] =	sst s0;
	s0 =	simm.s32 @!p2 $0x0  }
0x16: {  	s3 =	sld [smem:$0x3FDB];
	s0 =	simm.s32 @p2 $0x1  }
0x17: {  	s4 =	simm.s32 $0x1BF5;
	[smem:$0x3FBB] =	sst s0  }
0x18: {  	s0 =	sld [smem:$0x3F9E];
	_ =	swait.ge [sflag:s4], $0x0  }
0x19: {  	s7 =	sld [smem:$0x3F9F]  }
0x1a: {  	s8 =	sadd.s32 $0xFFFFE003, lr  }
0x1b: {  	s9 =	sadd.s32 $0xFFFFFEF7, lr;
	s5 =	simm.s32 $0xFFFFFFFF;
	p2 =	slt.u32 s8, $0xFFFFF086  }
0x1c: {  	p1 =	slt.u32 s9, $0xF7A;
	s5 =	simm.s32 @!p2 $0x0  }
0x1d: {  	s5 =	simm.s32 @p1 $0x1;
	p0 =	seq.s32 s7, s2  }
0x1e: {  	s7 =	smul.u32 @!p0 $0xF7A, s2;
	p2 =	seq.s32 @!p0 s5, $0x0  }
0x1f: {  	s9 =	smul.u32 $0xF7A, s1;
	s8 =	simm.s32 @!p0 $0x1BF5;
	p2 =	por !p2, p0  }
0x20: {  	[sflag:s8] =	ssyncset.s32 @!p0 $0xFFFFF086;
	s6 =	sadd.s32 @!p0 s3, s7;
	s7 =	simm.s32 @!p0 $0x108  }
0x21: {  	s3 =	sadd.s32 s3, s9;
	s6 =	sadd.s32 @!p0 $0x88, s6;
	s7 =	simm.s32 @p2 $0x1082  }
0x22: {  	[simem:s7], [sflag:s8] =	dma.local @!p0 [hbm:s6], $0xF7A  }
0x23: {  	s9 =	sor.u32 $0xD0000000, s2;
	s6 =	simm.s32 $0x108;
	_ =	swait.ge @!p0 [sflag:s8], $0x0  }
0x24: {  	s3 =	sadd.s32 $0x88, s3;
	s6 =	simm.s32 @!p1 $0x1082;
	[sflag:s4] =	ssyncset.s32 $0xFFFFF086  }
0x25: {  	[simem:s6], [sflag:s4] =	dma.local [hbm:s3], $0xF7A  }
0x26: {  	[smem:$0x3F9F] =	sst s1;
	(tag) =	ssettag s2;
	_ =	strace s9  }
0x27: {  	s1 =	sld [smem:$0x3FAF]  }
0x28: {  	s2 =	sld [smem:$0x3FB0]  }
0x29: {  	s4 =	sld [smem:$0x3FB2]  }
0x2a: {  	p0 =	seq.s32 s5, $0x0;
	s5 =	sld [smem:$0x3FB3]  }
0x2b: {  	s6 =	sld [smem:$0x3FB4]  }
0x2c: {  	s7 =	sld [smem:$0x3FB5]  }
0x2d: {  	s3 =	simm.s32 $0x108;
	s8 =	sld [smem:$0x3FB6]  }
0x2e: {  	s3 =	simm.s32 @!p0 $0x1082;
	s9 =	sld [smem:$0x3FB7]  }
0x2f: {  	lr =	sadd.s32 s0, s3;
	s0 =	sld [smem:$0x3FAE]  }
0x30: {  	s3 =	sld [smem:$0x3FB1]  }
0x31: {  	[smem:$0x3FBA] =	sst s10  }
0x32: {  	s10 =	sld [smem:$0x3FB8];
	_ =	sdelay $0x3  }
0x33: {  	p0 =	seq.s32 s10, $0x1;
	s10 =	sld [smem:$0x3FBA];
	_ =	sdelay $0x3  }
0x34: {  	[smem:$0x3FBA] =	sst s10  }
0x35: {  	s10 =	sld [smem:$0x3FB9];
	_ =	sdelay $0x3  }
0x36: {  	p1 =	seq.s32 s10, $0x1;
	s10 =	sld [smem:$0x3FBA];
	_ =	sdelay $0x3  }
0x37: {  	[smem:$0x3FBA] =	sst s10  }
0x38: {  	s10 =	sld [smem:$0x3FBB]  }
0x39: {  	_ = 	snop;
	(pc) =	sbr.ind lr, $3  }
0x3a: {  	_ = 	snop  }
0x3b: {  	_ = 	snop  }
0x3c: {  	p2 =	seq.s32 s10, $0x1;
	s10 =	sld [smem:$0x3FBA]  }
0x3d: {  	_ =	shalt  }
0x3e: {  	_ =	shalt  }
0x3f: {  	_ =	shalt  }
0x40: {  	_ =	shalt  }
0x41: {  	_ =	shalt  }
0x42: {  	_ =	shalt  }
0x43: {  	_ =	shalt  }
0x44: {  	_ =	shalt  }
0x45: {  	_ =	shalt  }
0x46: {  	_ =	shalt  }
0x47: {  	_ =	shalt  }
0x48: {  	_ =	shalt  }
0x49: {  	_ =	shalt  }
0x4a: {  	_ =	shalt  }
0x4b: {  	_ =	shalt  }
0x4c: {  	_ =	shalt  }
0x4d: {  	_ =	shalt  }
0x4e: {  	_ =	shalt  }
0x4f: {  	_ =	shalt  }
0x50: {  	_ =	shalt  }
0x51: {  	_ =	shalt  }
0x52: {  	_ =	shalt  }
0x53: {  	_ =	shalt  }
0x54: {  	_ =	shalt  }
0x55: {  	_ =	shalt  }
0x56: {  	_ =	shalt  }
0x57: {  	_ =	shalt  }
0x58: {  	_ =	shalt  }
0x59: {  	_ =	shalt  }
0x5a: {  	_ =	shalt  }
0x5b: {  	_ =	shalt  }
0x5c: {  	_ =	shalt  }
0x5d: {  	_ =	shalt  }
0x5e: {  	_ =	shalt  }
0x5f: {  	_ =	shalt  }
0x60: {  	_ =	shalt  }
0x61: {  	_ =	shalt  }
0x62: {  	_ =	shalt  }
0x63: {  	_ =	shalt  }
0x64: {  	_ =	shalt  }
0x65: {  	_ =	shalt  }
0x66: {  	_ =	shalt  }
0x67: {  	_ =	shalt  }
0x68: {  	_ =	shalt  }
0x69: {  	_ =	shalt  }
0x6a: {  	_ =	shalt  }
0x6b: {  	_ =	shalt  }
0x6c: {  	_ =	shalt  }
0x6d: {  	_ =	shalt  }
0x6e: {  	_ =	shalt  }
0x6f: {  	_ =	shalt  }
0x70: {  	_ =	shalt  }
0x71: {  	_ =	shalt  }
0x72: {  	_ =	shalt  }
0x73: {  	_ =	shalt  }
0x74: {  	_ =	shalt  }
0x75: {  	_ =	shalt  }
0x76: {  	_ =	shalt  }
0x77: {  	_ =	shalt  }
0x78: {  	_ =	shalt  }
0x79: {  	_ =	shalt  }
0x7a: {  	_ =	shalt  }
0x7b: {  	_ =	shalt  }
0x7c: {  	_ =	shalt  }
0x7d: {  	_ =	shalt  }
0x7e: {  	_ =	shalt  }
0x7f: {  	_ =	shalt  }
0x80: {  	_ =	shalt  }
0x81: {  	_ =	shalt  }
0x82: {  	_ =	shalt  }
0x83: {  	_ =	shalt  }
0x84: {  	_ =	shalt  }
0x85: {  	_ =	shalt  }
0x86: {  	_ =	shalt  }
0x87: {  	_ =	shalt  }
.Lfunc_end0:
.L_simem_size_0:
called_computation_lowered:
.L_overlay_start_0:
0x88: {  	s2 =	sld [smem:$0x3FD9]  }
0x89: {  	s3 =	sld [smem:$0x3FFE];
	_ =	sdelay $0x1  }
0x8a: {  	s1 =	srdreg.scid  }
0x8b: {  	s0 =	sand.u32 $0x1, s1  }
0x8c: {  	s18 =	sshll.u32 s0, $0xA;
	s2 =	sadd.s32 s3, s2  }
0x8d: {  	s2 =	sadd.s32 s2, s18  }
0x8e: {  	[smem:$0x3FC6] =	sst s2  }
0x8f: {  	_ = 	snop  }
0x90: {  	s2 =	sld [smem:$0x3FC9]  }
0x91: {  	s19 =	sld [smem:$0x3FC8]  }
0x92: {  	s4 =	sld [smem:$0x3FD0];
	(tm) =	ssettm $0x1  }
0x93: {  	s5 =	sld [smem:$0x3FFB];
	_ =	sdelay $0x3  }
0x94: {  	_ =	strace s5  }
0x95: {  	s5 =	sld [smem:$0x3FFC];
	_ =	sdelay $0x3  }
0x96: {  	_ =	strace s5  }
0x97: {  	s5 =	sld [smem:$0x3FFD];
	_ =	sdelay $0x3  }
0x98: {  	_ =	strace s5  }
0x99: {  	_ =	strace $0x8FFFFFFF  }
0x9a: {  	s20 =	sld [smem:$0x3FDB];
	_ =	sdelay $0x1  }
0x9b: {  	s6 =	simm.s32 $_scs_section_size  }
0x9c: {  	s7 =	simm.s32 $_size__tile_overlayer_lowered;
	s8 =	simm.s32 $_tile_overlayer_lowered  }
0x9d: {  	s23 =	simm.s32 $0x1BFF;
	s22 =	sshll.u32 s8, $0x1;
	s5 =	sadd.s32 s6, s20  }
0x9e: {  	s9 =	simm.s32 $0x0;
	s21 =	sshll.u32 s7, $0x1;
	s7 =	sadd.s32 s22, s5  }
0x9f: {  	[timem:s9], [sflag:s23] =	dma.local [hbm:s7], s21  }
0xa0: {  	_ =	swait.ge [sflag:s23], s21  }
0xa1: {  	s6 =	ssub.s32 $0x0, s21;
	[sflag:s23] =	ssyncset.done $0x0  }
0xa2: {  	[sflag:s23] =	ssyncadd.s32 s6;
	_ =	sdelay $0x1  }
0xa3: {  	s24 =	simm.s32 $0x1B8B  }
0xa4: {  	_ =	swait.ge [sflag:s24], $0x1  }
0xa5: {  	[sflag:s24] =	ssyncset.done $0x0  }
0xa6: {  	s25 =	simm.s32 $0x1B8E;
	[sflag:s24] =	ssyncadd.s32 $0xFFFFFFFF  }
0xa7: {  	s26 =	simm.s32 $execute0_lowered;
	[smem:$0x3FD2] =	sst s25  }
0xa8: {  	s6 =	sshll.u32 s26, $0x1;
	_ =	strace $0x80000046;
	[dreg:$0x1] =	wrdreg $0xFFFFFFFF  }
0xa9: {  	s28 =	simm.s32 $_size_execute0_lowered;
	s5 =	sadd.s32 s5, s6;
	[dreg:$0x0] =	wrdreg $0x0  }
0xaa: {  	s6 =	sshll.u32 s28, $0x1;
	[dreg:$0x2] =	wrdreg s5  }
0xab: {  	[dreg:$0x3] =	wrdreg s6  }
0xac: {  	[dreg:$0x4] =	wrdreg $0xC0  }
0xad: {  	_ =	task [dreg:s9], $0x5FFFF  }
0xae: {  	[dreg:$0x1] =	wrdreg $0xFFFFFFFF  }
0xaf: {  	[dreg:$0x0] =	wrdreg $0x60  }
0xb0: {  	[dreg:$0x2] =	wrdreg s2  }
0xb1: {  	[dreg:$0x3] =	wrdreg s19  }
0xb2: {  	[dreg:$0x4] =	wrdreg s4  }
0xb3: {  	[dreg:$0x5] =	wrdreg $0x15C000  }
0xb4: {  	[dreg:$0x6] =	wrdreg $0x9  }
0xb5: {  	_ =	task.clear_ibuf [dreg:s9], $0x7FFFF;
	_ =	strace $0x90000046  }
0xb6: {  	s29 =	simm.s32 $0x9;
	_ =	strace $0x80000048  }
0xb7: {  	_ =	swait.ge [sflag:s29], $0x1  }
0xb8: {  	[sflag:s29] =	ssyncadd.s32 $0xFFFFFFFF  }
0xb9: {  	_ =	strace $0x90000048  }
0xba: {  	_ =	sfence  }
0xbb: {  	s30 =	sld [smem:$0x0];
	_ =	sdelay $0x2  }
0xbc: {  	s31 =	sshll.u32 s1, $0xD;
	s1 =	sshrl.u32 s1, $0x2  }
0xbd: {  	s3 =	sand.u32 $0x4000, s31;
	s1 =	sadd.s32 s1, s30  }
0xbe: {  	s0 =	sor.u32 s3, s0;
	s1 =	sshll.u32 s1, $0x11  }
0xbf: {  	s0 =	sor.u32 s1, s0  }
0xc0: {  	s0 =	sadd.s32 $0x8F2B, s0  }
0xc1: {  	[sflag:s0] =	ssyncadd.remote.s32 $0x1  }
0xc2: {  	_ =	sfence.sel $0xFFFF  }
0xc3: {  	[dreg:$0x0] =	wrdreg $0xFFFFFFFF;
	(pc) =	sbr.abs _section_cstart, $3  }
0xc4: {  	[dreg:$0x1] =	wrdreg $0xFFFFFFFF  }
0xc5: {  	_ =	task.clear_ibuf [dreg:s9], $0x2FFFF;
	_ =	strace $0x9FFFFFFF  }
0xc6: {  	(tm) =	ssettm $0x7FFFFFFF  }
0xc7: {  	_ =	shalt  }
tec
execute0_lowered:
.L_overlay_start_1:
0x0: {  	(tag) =	ssettag $0x1  }
0x1: {  	s0 =	rddreg [dreg:$0x0]  }
0x2: {  	s3 =	rddreg [dreg:$0x1]  }
0x3: {  	s1 =	rddreg [dreg:$0x2]  }
0x4: {  	s4 =	srdreg.scid;
	s2 =	rddreg [dreg:$0x3]  }
0x5: {  	s13 =	stileid.u32;
	s31 =	simm.s32 $0x80;
	s28 =	simm.s32 $0x1  }
0x6: {  	s5 =	sand.u32 $0x1, s4;
	s4 =	simm.s32 $0x0;
	s25 =	sshll.u32 s13, $0x8  }
0x7: {  	s9 =	sshll.u32 s13, $0xF;
	s10 =	smul.u32 $0x38, s13;
	s11 =	sshll.u32 s13, $0xA  }
0x8: {  	p0 =	sgt.u32 s13, $0xC;
	s13 =	simm.s32 $0x5;
	s6 =	ssub.s32 $0x2, s5  }
0x9: {  	[smem:$0x7FF] =	sst s4;
	s8 =	sshll.u32 s5, $0x7;
	s26 =	sshrl.u32 s9, $0x2  }
0xa: {  	s11 =	sadd.s32 s3, s11;
	s17 =	sshll.u32 s5, $0xE;
	s5 =	simm.s32 $0x9C00  }
0xb: {  	s7 =	sshrl.u32 s6, $0x1;
	_ =	strace $0x80000047;
	s10 =	sadd.s32 $0x68, s10  }
0xc: {  	[dreg:$0x5] =	wrdreg s11;
	s29 =	sshll.u32 s10, $0x7;
	s10 =	sshll.u32 s10, $0x4  }
0xd: {  	s6 =	ssub.s32 s6, s7;
	s7 =	sor.u32 s8, s25;
	s3 =	sadd.s32 s3, s10  }
0xe: {  	s8 =	sadd.s32 s26, s2;
	s0 =	sadd.s32 s0, s7;
	[dreg:$0x6] =	wrdreg s3  }
0xf: {  	s12 =	sshll.u32 s7, $0x4;
	s24 =	smax.u32 s6, $0x1;
	[dreg:$0x8] =	wrdreg s0  }
0x10: {  	s11 =	sadd.s32 s29, s2;
	s30 =	sadd.s32 s1, s12;
	[dreg:$0x12] =	wrdreg s24  }
0x11: {  	s6 =	simm.s32 $0x2;
	s12 =	sadd.s32 $0x10000, s30;
	[dreg:$0x7] =	wrdreg s30  }
0x12: {  	s10 =	simm.s32 $0x11C00;
	s14 =	sadd.s32 $0x20000, s30;
	[dreg:$0x9] =	wrdreg s12  }
0x13: {  	s0 =	sor.u32 s17, s9;
	s15 =	sadd.s32 $0x30000, s30;
	[dreg:$0xa] =	wrdreg s14  }
0x14: {  	s9 =	simm.s32 $0xDC00;
	s16 =	sadd.s32 $0x40000, s30;
	[dreg:$0xb] =	wrdreg s15  }
0x15: {  	s17 =	simm.s32 $0xA;
	s18 =	sadd.s32 $0x2D0000, s30;
	[dreg:$0xc] =	wrdreg s16  }
0x16: {  	s19 =	sadd.s32 $0x2E0000, s30;
	s20 =	sadd.s32 $0x2F0000, s30;
	[dreg:$0xd] =	wrdreg s18  }
0x17: {  	s21 =	sadd.s32 $0x300000, s30;
	s22 =	sor.u32 $0x480000, s0;
	[dreg:$0xe] =	wrdreg s19  }
0x18: {  	s23 =	sadd.s32 $0x310000, s30;
	s25 =	sor.u32 $0x280000, s0;
	[dreg:$0xf] =	wrdreg s20  }
0x19: {  	s26 =	sor.u32 $0x400000, s0;
	s29 =	sor.u32 $0x380000, s0;
	[dreg:$0x10] =	wrdreg s21  }
0x1a: {  	s0 =	sor.u32 $0x300000, s0;
	[dreg:$0x11] =	wrdreg s23;
	s3 =	sshrl.u32 s22, $0x3  }
0x1b: {  	[dreg:$0x13] =	wrdreg s25;
	s30 =	sshrl.u32 s29, $0x3;
	s0 =	sshrl.u32 s0, $0x3  }
0x1c: {  	s21 =	simm.s32 $0x1800;
	s12 =	simm.s32 $0x6;
	s14 =	simm.s32 $0x7  }
0x1d: {  	s15 =	simm.s32 $0x8;
	s16 =	simm.s32 $0x9;
	s18 =	simm.s32 $0x0  }
0x1e: {  	s3 =	sadd.s32 s3, s1;
	s22 =	sadd.s32 s30, s1;
	s23 =	sadd.s32 s0, s1  }
0x1f: {  	s0 =	sshrl.u32 @p0 s11, $0x3;
	s11 =	simm.s32 $0x4;
	[dreg:$0x14] =	wrdreg s3  }
0x20: {  	s3 =	sshrl.u32 s26, $0x3;
	[dreg:$0x16] =	wrdreg s0;
	s0 =	sshrl.u32 @!p0 s8, $0x3  }
0x21: {  	s26 =	simm.s32 $0x5C00;
	s3 =	sadd.s32 s3, s1;
	[dreg:$0x17] =	wrdreg s0  }
0x22: {  	s0 =	simm.s32 $0x1C00;
	[dreg:$0x15] =	wrdreg s3;
	s3 =	simm.s32 $0x3  }
.LBB2_1:
0x23: {  	s8 =	stileid.u32  }
0x24: {  	s19 =	rddreg [dreg:$0x6];
	s7 =	sshll.u32 @p0 s8, $0x6  }
0x25: {  	s20 =	rddreg [dreg:$0x16];
	s7 =	sor.u32 @p0 $0x1C0B, s7  }
0x26: {  	[spmem:s20], [sflag:s7] =	dma.local @p0 [hbm:s19], $0x380  }
0x27: {  	s7 =	sshll.u32 @!p0 s8, $0x6;
	s8 =	rddreg [dreg:$0x5]  }
0x28: {  	s7 =	sor.u32 @!p0 $0x1C0B, s7;
	s19 =	rddreg [dreg:$0x17]  }
0x29: {  	[spmem:s19], [sflag:s7] =	dma.local @!p0 [hbm:s8], $0x400  }
0x2a: {  	s24 =	simm.s32 $0x8000;
	s20 =	simm.s32 $0x400;
	s7 =	rddreg [dreg:$0x8]  }
0x2b: {  	[tilespmem:s4], [sflag:$0xC] =	stream.strided.gather [hbm4b:s7+s20], $0x1800, s24, s20, $0x38;
	[tilespmem:$0x17B40] =	vst v63  }
0x2c: {  	s25 =	simm.s32 $0xC;
	s7 =	sadd.s32 $0x6000, s7  }
0x2d: {  	[tilespmem:s21], [sflag:$0xC] =	stream.linear.gather [hbm4b:s7+s4], $0x100, $0x38;
	[tilespmem:$0x17B40] =	vst v63  }
0x2e: {  	_ =	swait.ge [sflag:s25], $0x1900  }
0x2f: {  	[sflag:s25] =	ssyncset.done $0x0  }
0x30: {  	s7 =	simm.s32 @p0 $0xB;
	[sflag:s25] =	ssyncadd.s32 $0xFFFFE700  }
0x31: {  	_ =	swait.ge @p0 [sflag:s7], $0x380  }
0x32: {  	[sflag:s7] =	ssyncset.done @p0 $0x0  }
0x33: {  	[sflag:s7] =	ssyncadd.s32 @p0 $0xFFFFFC80;
	s7 =	simm.s32 @!p0 $0xB  }
0x34: {  	_ =	swait.ge @!p0 [sflag:s7], $0x400  }
0x35: {  	[sflag:s7] =	ssyncset.done @!p0 $0x0  }
0x36: {  	[sflag:s7] =	ssyncadd.s32 @!p0 $0xFFFFFC00  }
0x37: {  	[bflag:$0x0] =	sbarrier.arrive $0xFFFF  }
0x38: {  	[tilespmem:s0], [sflag:$0x1] =	stream.indirect.gather [spmem:s2], $0x80, s4, s31, $0xb8;
	[tilespmem:$0x17B40] =	vst v63  }
0x39: {  	_ = 	snop  }
0x3a: {  	[tilespmem:s26], [sflag:$0x2] =	stream.indirect.gather [spmem:s2], $0x80, s31, s31, $0xb8;
	[tilespmem:$0x17B40] =	vst v63  }
0x3b: {  	_ =	swait.ge [sflag:s28], $0x4000  }
0x3c: {  	[sflag:s28] =	ssyncset.done $0x0  }
0x3d: {  	s8 =	rddreg [dreg:$0x7];
	[sflag:s28] =	ssyncadd.s32 $0xFFFFC000  }
0x3e: {  	[hbm4b:s8+s4] =	stream.linear.scatter [tilespmem:s0], [sflag:$0x6], $0x4000, $0x38;
	[tilespmem:$0x17B40] =	vst v63  }
0x3f: {  	s19 =	simm.s32 $0x100  }
0x40: {  	[tilespmem:s5], [sflag:$0x3] =	stream.indirect.gather [spmem:s2], $0x80, s19, s31, $0xb8;
	[tilespmem:$0x17B40] =	vst v63  }
0x41: {  	_ =	swait.ge [sflag:s6], $0x4000  }
0x42: {  	[sflag:s6] =	ssyncset.done $0x0  }
0x43: {  	s20 =	rddreg [dreg:$0x9];
	[sflag:s6] =	ssyncadd.s32 $0xFFFFC000  }
0x44: {  	[hbm4b:s20+s4] =	stream.linear.scatter [tilespmem:s26], [sflag:$0x7], $0x4000, $0x38;
	[tilespmem:$0x17B40] =	vst v63  }
0x45: {  	s21 =	simm.s32 $0x180  }
0x46: {  	[tilespmem:s9], [sflag:$0x4] =	stream.indirect.gather [spmem:s2], $0x80, s21, s31, $0xb8;
	[tilespmem:$0x17B40] =	vst v63  }
0x47: {  	_ =	swait.ge [sflag:s3], $0x4000  }
0x48: {  	[sflag:s3] =	ssyncset.done $0x0  }
0x49: {  	s24 =	rddreg [dreg:$0xa];
	[sflag:s3] =	ssyncadd.s32 $0xFFFFC000  }
0x4a: {  	[hbm4b:s24+s4] =	stream.linear.scatter [tilespmem:s5], [sflag:$0x8], $0x4000, $0x38;
	[tilespmem:$0x17B40] =	vst v63  }
0x4b: {  	s25 =	simm.s32 $0x200  }
0x4c: {  	[tilespmem:s10], [sflag:$0x5] =	stream.indirect.gather [spmem:s2], $0x80, s25, s31, $0xb8;
	[tilespmem:$0x17B40] =	vst v63  }
0x4d: {  	_ =	swait.ge [sflag:s11], $0x4000  }
0x4e: {  	[sflag:s11] =	ssyncset.done $0x0  }
0x4f: {  	s8 =	rddreg [dreg:$0xb];
	[sflag:s11] =	ssyncadd.s32 $0xFFFFC000  }
0x50: {  	[hbm4b:s8+s4] =	stream.linear.scatter [tilespmem:s9], [sflag:$0x9], $0x4000, $0x38;
	[tilespmem:$0x17B40] =	vst v63  }
0x51: {  	_ =	swait.ge [sflag:s12], $0x4000  }
0x52: {  	[sflag:s12] =	ssyncset.done $0x0  }
0x53: {  	s19 =	simm.s32 $0x280;
	[sflag:s12] =	ssyncadd.s32 $0xFFFFC000  }
0x54: {  	[tilespmem:s0], [sflag:$0x1] =	stream.indirect.gather [spmem:s2], $0x80, s19, s31, $0xb8;
	[tilespmem:$0x17B40] =	vst v63  }
0x55: {  	_ =	swait.ge [sflag:s13], $0x4000  }
0x56: {  	[sflag:s13] =	ssyncset.done $0x0  }
0x57: {  	s20 =	rddreg [dreg:$0xc];
	[sflag:s13] =	ssyncadd.s32 $0xFFFFC000  }
0x58: {  	[hbm4b:s20+s4] =	stream.linear.scatter [tilespmem:s10], [sflag:$0xA], $0x4000, $0x38;
	[tilespmem:$0x17B40] =	vst v63  }
0x59: {  	_ =	swait.ge [sflag:s14], $0x4000  }
0x5a: {  	[sflag:s14] =	ssyncset.done $0x0  }
0x5b: {  	s21 =	simm.s32 $0x300;
	[sflag:s14] =	ssyncadd.s32 $0xFFFFC000  }
0x5c: {  	[tilespmem:s26], [sflag:$0x2] =	stream.indirect.gather [spmem:s2], $0x80, s21, s31, $0xb8;
	[tilespmem:$0x17B40] =	vst v63  }
0x5d: {  	_ =	swait.ge [sflag:s28], $0x4000  }
0x5e: {  	s8 =	rddreg [dreg:$0x13]  }
0x5f: {  	[sflag:s28] =	ssyncset.done $0x0;
	s24 =	sshrl.u32 s8, $0x3  }
0x60: {  	[sflag:s28] =	ssyncadd.s32 $0xFFFFC000;
	s7 =	sadd.s32 s1, s24  }
0x61: {  	[hbm4b:s7+s4] =	stream.linear.scatter [tilespmem:s0], [sflag:$0x6], $0x4000, $0x38;
	[tilespmem:$0x17B40] =	vst v63  }
0x62: {  	_ =	swait.ge [sflag:s15], $0x4000  }
0x63: {  	[sflag:s15] =	ssyncset.done $0x0  }
0x64: {  	s25 =	simm.s32 $0x380;
	[sflag:s15] =	ssyncadd.s32 $0xFFFFC000  }
0x65: {  	[tilespmem:s5], [sflag:$0x3] =	stream.indirect.gather [spmem:s2], $0x80, s25, s31, $0xb8;
	[tilespmem:$0x17B40] =	vst v63  }
0x66: {  	_ =	swait.ge [sflag:s6], $0x4000  }
0x67: {  	[sflag:s6] =	ssyncset.done $0x0  }
0x68: {  	[sflag:s6] =	ssyncadd.s32 $0xFFFFC000  }
0x69: {  	[hbm4b:s23+s4] =	stream.linear.scatter [tilespmem:s26], [sflag:$0x7], $0x4000, $0x38;
	[tilespmem:$0x17B40] =	vst v63  }
0x6a: {  	_ =	swait.ge [sflag:s16], $0x4000  }
0x6b: {  	[sflag:s16] =	ssyncset.done $0x0  }
0x6c: {  	s19 =	simm.s32 $0x400;
	[sflag:s16] =	ssyncadd.s32 $0xFFFFC000  }
0x6d: {  	[tilespmem:s9], [sflag:$0x4] =	stream.indirect.gather [spmem:s2], $0x80, s19, s31, $0xb8;
	[tilespmem:$0x17B40] =	vst v63  }
0x6e: {  	_ =	swait.ge [sflag:s3], $0x4000  }
0x6f: {  	[sflag:s3] =	ssyncset.done $0x0  }
0x70: {  	[sflag:s3] =	ssyncadd.s32 $0xFFFFC000  }
0x71: {  	[hbm4b:s22+s4] =	stream.linear.scatter [tilespmem:s5], [sflag:$0x8], $0x4000, $0x38;
	[tilespmem:$0x17B40] =	vst v63  }
0x72: {  	_ =	swait.ge [sflag:s17], $0x4000  }
0x73: {  	[sflag:s17] =	ssyncset.done $0x0  }
0x74: {  	s20 =	simm.s32 $0x480;
	[sflag:s17] =	ssyncadd.s32 $0xFFFFC000  }
0x75: {  	[tilespmem:s10], [sflag:$0x5] =	stream.indirect.gather [spmem:s2], $0x80, s20, s31, $0xb8;
	[tilespmem:$0x17B40] =	vst v63  }
0x76: {  	_ =	swait.ge [sflag:s11], $0x4000  }
0x77: {  	[sflag:s11] =	ssyncset.done $0x0  }
0x78: {  	s21 =	rddreg [dreg:$0x15];
	[sflag:s11] =	ssyncadd.s32 $0xFFFFC000  }
0x79: {  	[hbm4b:s21+s4] =	stream.linear.scatter [tilespmem:s9], [sflag:$0x9], $0x4000, $0x38;
	[tilespmem:$0x17B40] =	vst v63  }
0x7a: {  	_ =	swait.ge [sflag:s12], $0x4000  }
0x7b: {  	[sflag:s12] =	ssyncset.done $0x0  }
0x7c: {  	s29 =	simm.s32 $0xA00;
	s25 =	simm.s32 $0x500;
	[sflag:s12] =	ssyncadd.s32 $0xFFFFC000  }
0x7d: {  	[tilespmem:s0], [sflag:$0x1] =	stream.indirect.gather [spmem:s2], $0x80, s25, s31, $0xb8;
	[tilespmem:$0x17B40] =	vst v63  }
0x7e: {  	s30 =	sadd.s32 $0x280000, s8;
	s24 =	sadd.s32 $0x50000, s23;
	_ =	swait.ge [sflag:s13], $0x4000  }
0x7f: {  	s7 =	sadd.s32 $0x50000, s22;
	[sflag:s13] =	ssyncset.done $0x0;
	s20 =	rddreg [dreg:$0x14]  }
0x80: {  	s25 =	sadd.s32 $0x50000, s21;
	[sflag:s13] =	ssyncadd.s32 $0xFFFFC000;
	s8 =	sadd.s32 $0x50000, s20  }
.LBB2_2:
0x81: {  	[hbm4b:s20+s4] =	stream.linear.scatter [tilespmem:s10], [sflag:$0xA], $0x4000, $0x38;
	[tilespmem:$0x17B40] =	vst v63  }
0x82: {  	s19 =	smov.u32 s29;
	s20 =	smov.u32 s8  }
0x83: {  	p1 =	sne.s32 s29, $0x4600;
	s29 =	sadd.s32 $0xA00, s29;
	_ =	swait.ge [sflag:s14], $0x4000  }
0x84: {  	s19 =	sshra.s32 s19, $0x2;
	[sflag:s14] =	ssyncset.done $0x0  }
0x85: {  	s21 =	sadd.s32 $0x300, s19;
	[sflag:s14] =	ssyncadd.s32 $0xFFFFC000  }
0x86: {  	[tilespmem:s26], [sflag:$0x2] =	stream.indirect.gather [spmem:s2], $0x80, s21, s31, $0xb8;
	[tilespmem:$0x17B40] =	vst v63  }
0x87: {  	_ =	swait.ge [sflag:s28], $0x4000  }
0x88: {  	s21 =	sshrl.u32 s30, $0x3;
	[sflag:s28] =	ssyncset.done $0x0  }
0x89: {  	s21 =	sadd.s32 s1, s21;
	[sflag:s28] =	ssyncadd.s32 $0xFFFFC000  }
0x8a: {  	[hbm4b:s21+s4] =	stream.linear.scatter [tilespmem:s0], [sflag:$0x6], $0x4000, $0x38;
	[tilespmem:$0x17B40] =	vst v63  }
0x8b: {  	_ =	swait.ge [sflag:s15], $0x4000  }
0x8c: {  	[sflag:s15] =	ssyncset.done $0x0  }
0x8d: {  	s21 =	sadd.s32 $0x380, s19;
	[sflag:s15] =	ssyncadd.s32 $0xFFFFC000  }
0x8e: {  	[tilespmem:s5], [sflag:$0x3] =	stream.indirect.gather [spmem:s2], $0x80, s21, s31, $0xb8;
	[tilespmem:$0x17B40] =	vst v63  }
0x8f: {  	_ =	swait.ge [sflag:s6], $0x4000  }
0x90: {  	[sflag:s6] =	ssyncset.done $0x0  }
0x91: {  	[sflag:s6] =	ssyncadd.s32 $0xFFFFC000  }
0x92: {  	[hbm4b:s24+s4] =	stream.linear.scatter [tilespmem:s26], [sflag:$0x7], $0x4000, $0x38;
	[tilespmem:$0x17B40] =	vst v63  }
0x93: {  	_ =	swait.ge [sflag:s16], $0x4000  }
0x94: {  	[sflag:s16] =	ssyncset.done $0x0  }
0x95: {  	s21 =	sadd.s32 $0x400, s19;
	[sflag:s16] =	ssyncadd.s32 $0xFFFFC000  }
0x96: {  	[tilespmem:s9], [sflag:$0x4] =	stream.indirect.gather [spmem:s2], $0x80, s21, s31, $0xb8;
	[tilespmem:$0x17B40] =	vst v63  }
0x97: {  	_ =	swait.ge [sflag:s3], $0x4000  }
0x98: {  	[sflag:s3] =	ssyncset.done $0x0  }
0x99: {  	[sflag:s3] =	ssyncadd.s32 $0xFFFFC000  }
0x9a: {  	[hbm4b:s7+s4] =	stream.linear.scatter [tilespmem:s5], [sflag:$0x8], $0x4000, $0x38;
	[tilespmem:$0x17B40] =	vst v63  }
0x9b: {  	_ =	swait.ge [sflag:s17], $0x4000  }
0x9c: {  	[sflag:s17] =	ssyncset.done $0x0  }
0x9d: {  	s21 =	sadd.s32 $0x480, s19;
	[sflag:s17] =	ssyncadd.s32 $0xFFFFC000  }
0x9e: {  	[tilespmem:s10], [sflag:$0x5] =	stream.indirect.gather [spmem:s2], $0x80, s21, s31, $0xb8;
	[tilespmem:$0x17B40] =	vst v63  }
0x9f: {  	_ =	swait.ge [sflag:s11], $0x4000  }
0xa0: {  	[sflag:s11] =	ssyncset.done $0x0  }
0xa1: {  	[sflag:s11] =	ssyncadd.s32 $0xFFFFC000  }
0xa2: {  	[hbm4b:s25+s4] =	stream.linear.scatter [tilespmem:s9], [sflag:$0x9], $0x4000, $0x38;
	[tilespmem:$0x17B40] =	vst v63  }
0xa3: {  	_ =	swait.ge [sflag:s12], $0x4000  }
0xa4: {  	[sflag:s12] =	ssyncset.done $0x0  }
.Ltmp0:
0xa5: {  	s19 =	sadd.s32 $0x500, s19;
	[sflag:s12] =	ssyncadd.s32 $0xFFFFC000;
	(pc) =	sbr.rel @p1 .LBB2_2-.Ltmp0, $4  }
0xa6: {  	[tilespmem:s0], [sflag:$0x1] =	stream.indirect.gather [spmem:s2], $0x80, s19, s31, $0xb8;
	[tilespmem:$0x17B40] =	vst v63  }
0xa7: {  	s24 =	sadd.s32 $0x50000, s24;
	_ =	swait.ge [sflag:s13], $0x4000  }
0xa8: {  	s7 =	sadd.s32 $0x50000, s7;
	s25 =	sadd.s32 $0x50000, s25;
	[sflag:s13] =	ssyncset.done $0x0  }
0xa9: {  	s8 =	sadd.s32 $0x50000, s8;
	s30 =	sadd.s32 $0x280000, s30;
	[sflag:s13] =	ssyncadd.s32 $0xFFFFC000  }
0xaa: {  	[hbm4b:s20+s4] =	stream.linear.scatter [tilespmem:s10], [sflag:$0xA], $0x4000, $0x38;
	[tilespmem:$0x17B40] =	vst v63  }
0xab: {  	_ =	swait.ge [sflag:s14], $0x4000  }
0xac: {  	[sflag:s14] =	ssyncset.done $0x0  }
0xad: {  	s7 =	simm.s32 $0x1700;
	[sflag:s14] =	ssyncadd.s32 $0xFFFFC000  }
0xae: {  	[tilespmem:s26], [sflag:$0x2] =	stream.indirect.gather [spmem:s2], $0x80, s7, s31, $0xb8;
	[tilespmem:$0x17B40] =	vst v63  }
0xaf: {  	_ =	swait.ge [sflag:s28], $0x4000  }
0xb0: {  	[sflag:s28] =	ssyncset.done $0x0  }
0xb1: {  	s30 =	rddreg [dreg:$0xd];
	[sflag:s28] =	ssyncadd.s32 $0xFFFFC000  }
0xb2: {  	[hbm4b:s30+s4] =	stream.linear.scatter [tilespmem:s0], [sflag:$0x6], $0x4000, $0x38;
	[tilespmem:$0x17B40] =	vst v63  }
0xb3: {  	_ =	swait.ge [sflag:s15], $0x4000  }
0xb4: {  	[sflag:s15] =	ssyncset.done $0x0  }
0xb5: {  	s8 =	simm.s32 $0x1780;
	[sflag:s15] =	ssyncadd.s32 $0xFFFFC000  }
0xb6: {  	[tilespmem:s5], [sflag:$0x3] =	stream.indirect.gather [spmem:s2], $0x80, s8, s31, $0xb8;
	[tilespmem:$0x17B40] =	vst v63  }
0xb7: {  	_ =	swait.ge [sflag:s6], $0x4000  }
0xb8: {  	[sflag:s6] =	ssyncset.done $0x0  }
0xb9: {  	s19 =	rddreg [dreg:$0xe];
	[sflag:s6] =	ssyncadd.s32 $0xFFFFC000  }
0xba: {  	[hbm4b:s19+s4] =	stream.linear.scatter [tilespmem:s26], [sflag:$0x7], $0x4000, $0x38;
	[tilespmem:$0x17B40] =	vst v63  }
0xbb: {  	_ =	swait.ge [sflag:s16], $0x4000  }
0xbc: {  	[sflag:s16] =	ssyncset.done $0x0  }
0xbd: {  	s21 =	simm.s32 $0x1800;
	[sflag:s16] =	ssyncadd.s32 $0xFFFFC000  }
0xbe: {  	[tilespmem:s9], [sflag:$0x4] =	stream.indirect.gather [spmem:s2], $0x80, s21, s31, $0xb8;
	[tilespmem:$0x17B40] =	vst v63  }
0xbf: {  	_ =	swait.ge [sflag:s3], $0x4000  }
0xc0: {  	[sflag:s3] =	ssyncset.done $0x0  }
0xc1: {  	s20 =	rddreg [dreg:$0xf];
	[sflag:s3] =	ssyncadd.s32 $0xFFFFC000  }
0xc2: {  	[hbm4b:s20+s4] =	stream.linear.scatter [tilespmem:s5], [sflag:$0x8], $0x4000, $0x38;
	[tilespmem:$0x17B40] =	vst v63  }
0xc3: {  	_ =	swait.ge [sflag:s17], $0x4000  }
0xc4: {  	[sflag:s17] =	ssyncset.done $0x0  }
0xc5: {  	s24 =	simm.s32 $0x1880;
	[sflag:s17] =	ssyncadd.s32 $0xFFFFC000  }
0xc6: {  	[tilespmem:s10], [sflag:$0x5] =	stream.indirect.gather [spmem:s2], $0x80, s24, s31, $0xb8;
	[tilespmem:$0x17B40] =	vst v63  }
0xc7: {  	_ =	swait.ge [sflag:s11], $0x4000  }
0xc8: {  	[sflag:s11] =	ssyncset.done $0x0  }
0xc9: {  	s25 =	rddreg [dreg:$0x10];
	[sflag:s11] =	ssyncadd.s32 $0xFFFFC000  }
0xca: {  	[hbm4b:s25+s4] =	stream.linear.scatter [tilespmem:s9], [sflag:$0x9], $0x4000, $0x38;
	[tilespmem:$0x17B40] =	vst v63  }
0xcb: {  	_ =	swait.ge [sflag:s13], $0x4000  }
0xcc: {  	[sflag:s13] =	ssyncset.done $0x0  }
0xcd: {  	s29 =	rddreg [dreg:$0x11];
	[sflag:s13] =	ssyncadd.s32 $0xFFFFC000  }
0xce: {  	[hbm4b:s29+s4] =	stream.linear.scatter [tilespmem:s10], [sflag:$0xA], $0x4000, $0x38;
	[tilespmem:$0x17B40] =	vst v63  }
0xcf: {  	_ =	swait.ge [sflag:s12], $0x4000  }
0xd0: {  	[sflag:s12] =	ssyncset.done $0x0  }
0xd1: {  	[sflag:s12] =	ssyncadd.s32 $0xFFFFC000  }
0xd2: {  	_ =	swait.ge [sflag:s14], $0x4000  }
0xd3: {  	[sflag:s14] =	ssyncset.done $0x0  }
0xd4: {  	[sflag:s14] =	ssyncadd.s32 $0xFFFFC000  }
0xd5: {  	_ =	swait.ge [sflag:s15], $0x4000  }
0xd6: {  	[sflag:s15] =	ssyncset.done $0x0  }
0xd7: {  	[sflag:s15] =	ssyncadd.s32 $0xFFFFC000  }
0xd8: {  	_ =	swait.ge [sflag:s16], $0x4000  }
0xd9: {  	[sflag:s16] =	ssyncset.done $0x0  }
0xda: {  	[sflag:s16] =	ssyncadd.s32 $0xFFFFC000  }
0xdb: {  	_ =	swait.ge [sflag:s17], $0x4000  }
0xdc: {  	s18 =	sadd.s32 $0x1, s18;
	s30 =	rddreg [dreg:$0x12]  }
0xdd: {  	p1 =	sne.s32 s18, s30  }
.Ltmp1:
0xde: {  	_ = 	snop;
	(pc) =	sbr.rel @p1 .LBB2_1-.Ltmp1, $3  }
0xdf: {  	_ =	sdelay $0x1  }
0xe0: {  	[sflag:s17] =	ssyncset.done $0x0  }
0xe1: {  	[sflag:s17] =	ssyncadd.s32 $0xFFFFC000  }
0xe2: {  	_ =	sfence.sel $0x180000  }
0xe3: {  	[bflag:$0x0] =	sbarrier.arrive $0xFFFF  }
0xe4: {  	_ =	strace $0x90000047  }
0xe5: {  	s0 =	stileid.u32;
	[bflag:$0x2] =	sbarrier.arrive $0xFFFF  }
0xe6: {  	p0 =	sne.s32 s0, $0x0;
	s0 =	rddreg [dreg:$0x4]  }
0xe7: {  	s0 =	sadd.s32 @!p0 $0x100000, s0  }
0xe8: {  	[sflag:s0] =	ssyncadd.tile.s32 @!p0 $0x1;
	_ =	shalt  }
.Lfunc_end2:
_tile_overlayer_lowered:
.L_overlay_start_2:
0xe9: {  	(tag) =	ssettag $0x2  }
0xea: {  	s0 =	rddreg [dreg:$0x0];
	s2 =	stileid.u32  }
0xeb: {  	s1 =	rddreg [dreg:$0x1];
	p0 =	sne.s32 s2, $0x0  }
0xec: {  	s3 =	rddreg [dreg:$0x2];
	[bflag:$0x3] =	sbarrier.arrive $0xFFFF;
	s2 =	simm.s32 @!p0 $0x1C0C  }
0xed: {  	[timem:s3], [sflag:s2] =	dma.local @!p0 [hbm:s0], s1  }
0xee: {  	s0 =	simm.s32 @!p0 $0xC  }
0xef: {  	_ =	swait.ge @!p0 [sflag:s0], s1  }
0xf0: {  	s1 =	ssub.s32 @!p0 $0x0, s1;
	[sflag:s0] =	ssyncset.done @!p0 $0x0  }
0xf1: {  	[sflag:s0] =	ssyncadd.s32 @!p0 s1  }
0xf2: {  	[bflag:$0x3] =	sbarrier.arrive $0xFFFF  }
0xf3: {  	_ =	shalt  }

</sc_bundles>
